<compile_context>
chip_gen: v7x
topology: tpu7x:2x2x1
jax: 0.10.2.dev20260603
libtpu: 0.0.44.dev20260713+nightly
codegen_flags: <defaults>
</compile_context>

<pallas_src>
import functools

import jax
import jax.numpy as jnp
from jax import lax
from jax.experimental import pallas as pl
from jax.experimental.pallas import tpu as pltpu
from jax.experimental.pallas import tpu_sc as plsc

_NUM_CLASSES = 19
_UPPER_BOUND = 1.0
_NW = 32
_U = 8


def _sc_counts(targets_flat):
    n = targets_flat.shape[0]
    per_w = n // _NW
    mesh = plsc.VectorSubcoreMesh(core_axis_name="c", subcore_axis_name="s")

    @functools.partial(
        pl.kernel,
        mesh=mesh,
        out_type=jax.ShapeDtypeStruct((_NW * _U * _NUM_CLASSES, 16), jnp.float32),
        scratch_types=[
            pltpu.VMEM((per_w,), jnp.int32),
            pltpu.VMEM((_U * _NUM_CLASSES, 16), jnp.float32),
            pltpu.SemaphoreType.DMA,
        ],
        compiler_params=pltpu.CompilerParams(needs_layout_passes=False),
    )
    def counts_kernel(t_hbm, out_hbm, tv, cnt, sem):
        wid = lax.axis_index("s") * 2 + lax.axis_index("c")
        sub = per_w // _U
        for r in range(_U * _NUM_CLASSES):
            cnt[r, :] = jnp.zeros((16,), jnp.float32)
        lanes = lax.broadcasted_iota(jnp.int32, (16,), 0)
        ones = jnp.ones((16,), jnp.float32)
        pltpu.sync_copy(t_hbm.at[pl.ds(wid * per_w, per_w)], tv)

        @plsc.parallel_loop(0, sub // 16, unroll=4)
        def body(i):
            off = i * 16
            for u in range(_U):
                tvec = tv[pl.ds(u * sub + off, 16)]
                plsc.addupdate_scatter(cnt, [tvec + u * _NUM_CLASSES, lanes], ones)

        rows = _U * _NUM_CLASSES
        pltpu.sync_copy(cnt, out_hbm.at[pl.ds(wid * rows, rows)])

    return counts_kernel(targets_flat)


def _s_body(x_ref, t_ref, s_ref):
    b = pl.program_id(0)
    h = pl.program_id(1)

    @pl.when((b == 0) & (h == 0))
    def _init():
        s_ref[...] = jnp.zeros_like(s_ref)

    x = x_ref[0]
    t = t_ref[0]
    lse = jnp.log(jnp.sum(jnp.exp(x), axis=0))
    cls = jax.lax.broadcasted_iota(jnp.int32, x.shape, 0)
    oh = cls == t[None]
    s_blk = jnp.sum(jnp.where(oh, x - lse[None], 0.0), axis=(1, 2))

    row = (jax.lax.broadcasted_iota(jnp.int32, s_ref.shape, 0) == b).astype(
        jnp.float32
    )
    s_ref[...] += row * s_blk[None, :]


def _combine_body(s_ref, cnt_ref, loss_ref):
    s = s_ref[...]
    n = jnp.sum(cnt_ref[...], axis=(1, 3))
    bins = jnp.sum(n, axis=0)
    hist_norm = bins / jnp.sum(bins)
    w = jnp.where(bins != 0, _UPPER_BOUND * (1.0 - hist_norm), 0.0) + 1.0
    num = -jnp.sum(w[None, :] * s, axis=1)
    den = jnp.sum(w[None, :] * n, axis=1)
    loss_ref[...] = jnp.sum(num / den).reshape(1, 1)


def kernel(inputs, targets):
    B, C, H, W = inputs.shape
    t32 = targets.astype(jnp.int32)

    cnt = _sc_counts(t32.reshape(-1))

    bh = 256
    grid = (B, H // bh)
    s = pl.pallas_call(
        _s_body,
        grid=grid,
        in_specs=[
            pl.BlockSpec((1, C, bh, W), lambda b, h: (b, 0, h, 0)),
            pl.BlockSpec((1, bh, W), lambda b, h: (b, h, 0)),
        ],
        out_specs=pl.BlockSpec((B, C), lambda b, h: (0, 0)),
        out_shape=jax.ShapeDtypeStruct((B, C), jnp.float32),
    )(inputs, t32)

    wpb = _NW // B
    loss = pl.pallas_call(
        _combine_body,
        out_shape=jax.ShapeDtypeStruct((1, 1), jnp.float32),
    )(s, cnt.reshape(B, wpb * _U, C, 16))
    return loss[0, 0]

# --- scband reference (transcript-rebuilt; emitter-appended) ---
"""Pipeline reference for scband-image-based-cross-entropy-loss2d-86217173500199 (READ-ONLY COPY).

The authoritative reference and input builder live on the scoring server;
editing this copy changes nothing except your own understanding.
"""

import jax, jax.numpy as jnp
import numpy as np

NUM_CLASSES = 19
UPPER_BOUND = 1.0
IGNORE_INDEX = 255
NORM = False


def setup_inputs(seed: int = 0) -> dict:
    key = jax.random.key(seed)
    k1, k2 = jax.random.split(key)
    inputs = jax.random.normal(k1, (8, NUM_CLASSES, 512, 512), dtype=jnp.float32)
    targets = jax.random.randint(k2, (8, 512, 512), 0, NUM_CLASSES, dtype=jnp.int64)
    return {"inputs": inputs, "targets": targets}


def _calculate_weight(targets):
    # torch.histc(target, bins=C, min=0, max=C) with integer labels in [0, C)
    # is equivalent to a bincount of length C (values outside [0, C] are dropped).
    t = targets.reshape(-1).astype(jnp.int32)
    in_range = (t >= 0) & (t <= NUM_CLASSES)
    t_clipped = jnp.clip(t, 0, NUM_CLASSES - 1)
    bins = jnp.bincount(t_clipped, weights=in_range.astype(jnp.float32), length=NUM_CLASSES)
    hist_norm = bins / bins.sum()
    if NORM:
        hist = (bins != 0).astype(jnp.float32) * UPPER_BOUND * (1.0 / hist_norm) + 1.0
    else:
        hist = (bins != 0).astype(jnp.float32) * UPPER_BOUND * (1.0 - hist_norm) + 1.0
    return hist


def reference(inputs, targets):
    # batch_weights=True: single weight vector computed from the whole batch target
    weights = _calculate_weight(targets)  # [C]
    tgt = targets.astype(jnp.int32)
    log_probs = jax.nn.log_softmax(inputs, axis=1)  # [B, C, H, W]
    valid = (tgt != IGNORE_INDEX)
    safe_tgt = jnp.where(valid, tgt, 0)
    # gather log-prob of target class per pixel
    logp_t = jnp.take_along_axis(log_probs, safe_tgt[:, None, :, :], axis=1)[:, 0]  # [B, H, W]
    w_t = weights[safe_tgt] * valid.astype(jnp.float32)  # [B, H, W]
    # per-image NLLLoss(weight, reduction='mean') = -sum(w*logp)/sum(w); summed over batch
    num = -(w_t * logp_t).sum(axis=(1, 2))
    den = w_t.sum(axis=(1, 2))
    per_img = num / den
    loss = per_img.sum()
    return loss

if __name__ == "__main__":
    import jax
    _d = setup_inputs()
    print(jax.jit(kernel)(*tuple(_d.values())))

</pallas_src>

<mosaic_0001>
#map = affine_map<(d0, d1) -> (0)>
#map1 = affine_map<(d0, d1) -> (0, 0)>
module attributes {stable_mosaic.version = 14 : i64} {
  func.func @counts_kernel(%arg0: i32, %arg1: i32, %arg2: memref<2097152xi32, #tpu.memory_space<hbm>>, %arg3: memref<4864x16xf32, #tpu.memory_space<hbm>>, %arg4: memref<65536xi32, #tpu.memory_space<vmem>>, %arg5: memref<152x16xf32, #tpu.memory_space<vmem>>, %arg6: memref<!tpu.dma_semaphore, #tpu.memory_space<semaphore_mem>>) attributes {dimension_semantics = [#tpu.dimension_semantics<core_parallel>, #tpu.dimension_semantics<subcore_parallel>], iteration_bounds = array<i64: 2, 16>, scalar_prefetch = 0 : i64, scratch_operands = 3 : i64, tpu.core_type = #tpu.core_type<sc_vector_subcore>, window_params = [{transform_indices = #map}, {transform_indices = #map1}]} {
    %mul3A = arith.constant 2 : i32
    %mul3A_0 = arith.muli %arg1, %mul3A : i32
    %add3A = arith.addi %mul3A_0, %arg0 : i32
    %broadcast_in_dim3A = arith.constant 0.000000e+00 : f32
    %broadcast_in_dim3A_1 = vector.broadcast %broadcast_in_dim3A : f32 to vector<16xf32>
    %swap3A = arith.constant 0 : i32
    %swap3A_2 = arith.index_cast %swap3A : i32 to index
    %swap3A_3 = arith.constant 0 : index
    %swap3A_4 = tpu.vector_load %arg5[%swap3A_2, %swap3A_3] {strides = array<i32>} : memref<152x16xf32, #tpu.memory_space<vmem>>, vector<16xf32>,
    tpu.vector_store %arg5[%swap3A_2, %swap3A_3], %broadcast_in_dim3A_1 {strides = array<i32>} : memref<152x16xf32, #tpu.memory_space<vmem>>, vector<16xf32>,
    %broadcast_in_dim3A_5 = arith.constant 0.000000e+00 : f32
    %broadcast_in_dim3A_6 = vector.broadcast %broadcast_in_dim3A_5 : f32 to vector<16xf32>
    %swap3A_7 = arith.constant 1 : i32
    %swap3A_8 = arith.index_cast %swap3A_7 : i32 to index
    %swap3A_9 = arith.constant 0 : index
    %swap3A_10 = tpu.vector_load %arg5[%swap3A_8, %swap3A_9] {strides = array<i32>} : memref<152x16xf32, #tpu.memory_space<vmem>>, vector<16xf32>,
    tpu.vector_store %arg5[%swap3A_8, %swap3A_9], %broadcast_in_dim3A_6 {strides = array<i32>} : memref<152x16xf32, #tpu.memory_space<vmem>>, vector<16xf32>,
    %broadcast_in_dim3A_11 = arith.constant 0.000000e+00 : f32
    %broadcast_in_dim3A_12 = vector.broadcast %broadcast_in_dim3A_11 : f32 to vector<16xf32>
    %swap3A_13 = arith.constant 2 : i32
    %swap3A_14 = arith.index_cast %swap3A_13 : i32 to index
    %swap3A_15 = arith.constant 0 : index
    %swap3A_16 = tpu.vector_load %arg5[%swap3A_14, %swap3A_15] {strides = array<i32>} : memref<152x16xf32, #tpu.memory_space<vmem>>, vector<16xf32>,
    tpu.vector_store %arg5[%swap3A_14, %swap3A_15], %broadcast_in_dim3A_12 {strides = array<i32>} : memref<152x16xf32, #tpu.memory_space<vmem>>, vector<16xf32>,
    %broadcast_in_dim3A_17 = arith.constant 0.000000e+00 : f32
    %broadcast_in_dim3A_18 = vector.broadcast %broadcast_in_dim3A_17 : f32 to vector<16xf32>
    %swap3A_19 = arith.constant 3 : i32
    %swap3A_20 = arith.index_cast %swap3A_19 : i32 to index
    %swap3A_21 = arith.constant 0 : index
    %swap3A_22 = tpu.vector_load %arg5[%swap3A_20, %swap3A_21] {strides = array<i32>} : memref<152x16xf32, #tpu.memory_space<vmem>>, vector<16xf32>,
    tpu.vector_store %arg5[%swap3A_20, %swap3A_21], %broadcast_in_dim3A_18 {strides = array<i32>} : memref<152x16xf32, #tpu.memory_space<vmem>>, vector<16xf32>,
    %broadcast_in_dim3A_23 = arith.constant 0.000000e+00 : f32
    %broadcast_in_dim3A_24 = vector.broadcast %broadcast_in_dim3A_23 : f32 to vector<16xf32>
    %swap3A_25 = arith.constant 4 : i32
    %swap3A_26 = arith.index_cast %swap3A_25 : i32 to index
    %swap3A_27 = arith.constant 0 : index
    %swap3A_28 = tpu.vector_load %arg5[%swap3A_26, %swap3A_27] {strides = array<i32>} : memref<152x16xf32, #tpu.memory_space<vmem>>, vector<16xf32>,
    tpu.vector_store %arg5[%swap3A_26, %swap3A_27], %broadcast_in_dim3A_24 {strides = array<i32>} : memref<152x16xf32, #tpu.memory_space<vmem>>, vector<16xf32>,
    %broadcast_in_dim3A_29 = arith.constant 0.000000e+00 : f32
    %broadcast_in_dim3A_30 = vector.broadcast %broadcast_in_dim3A_29 : f32 to vector<16xf32>
    %swap3A_31 = arith.constant 5 : i32
    %swap3A_32 = arith.index_cast %swap3A_31 : i32 to index
    %swap3A_33 = arith.constant 0 : index
    %swap3A_34 = tpu.vector_load %arg5[%swap3A_32, %swap3A_33] {strides = array<i32>} : memref<152x16xf32, #tpu.memory_space<vmem>>, vector<16xf32>,
    tpu.vector_store %arg5[%swap3A_32, %swap3A_33], %broadcast_in_dim3A_30 {strides = array<i32>} : memref<152x16xf32, #tpu.memory_space<vmem>>, vector<16xf32>,
    %broadcast_in_dim3A_35 = arith.constant 0.000000e+00 : f32
    %broadcast_in_dim3A_36 = vector.broadcast %broadcast_in_dim3A_35 : f32 to vector<16xf32>
    %swap3A_37 = arith.constant 6 : i32
    %swap3A_38 = arith.index_cast %swap3A_37 : i32 to index
    %swap3A_39 = arith.constant 0 : index
    %swap3A_40 = tpu.vector_load %arg5[%swap3A_38, %swap3A_39] {strides = array<i32>} : memref<152x16xf32, #tpu.memory_space<vmem>>, vector<16xf32>,
    tpu.vector_store %arg5[%swap3A_38, %swap3A_39], %broadcast_in_dim3A_36 {strides = array<i32>} : memref<152x16xf32, #tpu.memory_space<vmem>>, vector<16xf32>,
    %broadcast_in_dim3A_41 = arith.constant 0.000000e+00 : f32
    %broadcast_in_dim3A_42 = vector.broadcast %broadcast_in_dim3A_41 : f32 to vector<16xf32>
    %swap3A_43 = arith.constant 7 : i32
    %swap3A_44 = arith.index_cast %swap3A_43 : i32 to index
    %swap3A_45 = arith.constant 0 : index
    %swap3A_46 = tpu.vector_load %arg5[%swap3A_44, %swap3A_45] {strides = array<i32>} : memref<152x16xf32, #tpu.memory_space<vmem>>, vector<16xf32>,
    tpu.vector_store %arg5[%swap3A_44, %swap3A_45], %broadcast_in_dim3A_42 {strides = array<i32>} : memref<152x16xf32, #tpu.memory_space<vmem>>, vector<16xf32>,
    %broadcast_in_dim3A_47 = arith.constant 0.000000e+00 : f32
    %broadcast_in_dim3A_48 = vector.broadcast %broadcast_in_dim3A_47 : f32 to vector<16xf32>
    %swap3A_49 = arith.constant 8 : i32
    %swap3A_50 = arith.index_cast %swap3A_49 : i32 to index
    %swap3A_51 = arith.constant 0 : index
    %swap3A_52 = tpu.vector_load %arg5[%swap3A_50, %swap3A_51] {strides = array<i32>} : memref<152x16xf32, #tpu.memory_space<vmem>>, vector<16xf32>,
    tpu.vector_store %arg5[%swap3A_50, %swap3A_51], %broadcast_in_dim3A_48 {strides = array<i32>} : memref<152x16xf32, #tpu.memory_space<vmem>>, vector<16xf32>,
    %broadcast_in_dim3A_53 = arith.constant 0.000000e+00 : f32
    %broadcast_in_dim3A_54 = vector.broadcast %broadcast_in_dim3A_53 : f32 to vector<16xf32>
    %swap3A_55 = arith.constant 9 : i32
    %swap3A_56 = arith.index_cast %swap3A_55 : i32 to index
    %swap3A_57 = arith.constant 0 : index
    %swap3A_58 = tpu.vector_load %arg5[%swap3A_56, %swap3A_57] {strides = array<i32>} : memref<152x16xf32, #tpu.memory_space<vmem>>, vector<16xf32>,
    tpu.vector_store %arg5[%swap3A_56, %swap3A_57], %broadcast_in_dim3A_54 {strides = array<i32>} : memref<152x16xf32, #tpu.memory_space<vmem>>, vector<16xf32>,
    %broadcast_in_dim3A_59 = arith.constant 0.000000e+00 : f32
    %broadcast_in_dim3A_60 = vector.broadcast %broadcast_in_dim3A_59 : f32 to vector<16xf32>
    %swap3A_61 = arith.constant 10 : i32
    %swap3A_62 = arith.index_cast %swap3A_61 : i32 to index
    %swap3A_63 = arith.constant 0 : index
    %swap3A_64 = tpu.vector_load %arg5[%swap3A_62, %swap3A_63] {strides = array<i32>} : memref<152x16xf32, #tpu.memory_space<vmem>>, vector<16xf32>,
    tpu.vector_store %arg5[%swap3A_62, %swap3A_63], %broadcast_in_dim3A_60 {strides = array<i32>} : memref<152x16xf32, #tpu.memory_space<vmem>>, vector<16xf32>,
    %broadcast_in_dim3A_65 = arith.constant 0.000000e+00 : f32
    %broadcast_in_dim3A_66 = vector.broadcast %broadcast_in_dim3A_65 : f32 to vector<16xf32>
    %swap3A_67 = arith.constant 11 : i32
    %swap3A_68 = arith.index_cast %swap3A_67 : i32 to index
    %swap3A_69 = arith.constant 0 : index
    %swap3A_70 = tpu.vector_load %arg5[%swap3A_68, %swap3A_69] {strides = array<i32>} : memref<152x16xf32, #tpu.memory_space<vmem>>, vector<16xf32>,
    tpu.vector_store %arg5[%swap3A_68, %swap3A_69], %broadcast_in_dim3A_66 {strides = array<i32>} : memref<152x16xf32, #tpu.memory_space<vmem>>, vector<16xf32>,
    %broadcast_in_dim3A_71 = arith.constant 0.000000e+00 : f32
    %broadcast_in_dim3A_72 = vector.broadcast %broadcast_in_dim3A_71 : f32 to vector<16xf32>
    %swap3A_73 = arith.constant 12 : i32
    %swap3A_74 = arith.index_cast %swap3A_73 : i32 to index
    %swap3A_75 = arith.constant 0 : index
    %swap3A_76 = tpu.vector_load %arg5[%swap3A_74, %swap3A_75] {strides = array<i32>} : memref<152x16xf32, #tpu.memory_space<vmem>>, vector<16xf32>,
    tpu.vector_store %arg5[%swap3A_74, %swap3A_75], %broadcast_in_dim3A_72 {strides = array<i32>} : memref<152x16xf32, #tpu.memory_space<vmem>>, vector<16xf32>,
    %broadcast_in_dim3A_77 = arith.constant 0.000000e+00 : f32
    %broadcast_in_dim3A_78 = vector.broadcast %broadcast_in_dim3A_77 : f32 to vector<16xf32>
    %swap3A_79 = arith.constant 13 : i32
    %swap3A_80 = arith.index_cast %swap3A_79 : i32 to index
    %swap3A_81 = arith.constant 0 : index
    %swap3A_82 = tpu.vector_load %arg5[%swap3A_80, %swap3A_81] {strides = array<i32>} : memref<152x16xf32, #tpu.memory_space<vmem>>, vector<16xf32>,
    tpu.vector_store %arg5[%swap3A_80, %swap3A_81], %broadcast_in_dim3A_78 {strides = array<i32>} : memref<152x16xf32, #tpu.memory_space<vmem>>, vector<16xf32>,
    %broadcast_in_dim3A_83 = arith.constant 0.000000e+00 : f32
    %broadcast_in_dim3A_84 = vector.broadcast %broadcast_in_dim3A_83 : f32 to vector<16xf32>
    %swap3A_85 = arith.constant 14 : i32
    %swap3A_86 = arith.index_cast %swap3A_85 : i32 to index
    %swap3A_87 = arith.constant 0 : index
    %swap3A_88 = tpu.vector_load %arg5[%swap3A_86, %swap3A_87] {strides = array<i32>} : memref<152x16xf32, #tpu.memory_space<vmem>>, vector<16xf32>,
    tpu.vector_store %arg5[%swap3A_86, %swap3A_87], %broadcast_in_dim3A_84 {strides = array<i32>} : memref<152x16xf32, #tpu.memory_space<vmem>>, vector<16xf32>,
    %broadcast_in_dim3A_89 = arith.constant 0.000000e+00 : f32
    %broadcast_in_dim3A_90 = vector.broadcast %broadcast_in_dim3A_89 : f32 to vector<16xf32>
    %swap3A_91 = arith.constant 15 : i32
    %swap3A_92 = arith.index_cast %swap3A_91 : i32 to index
    %swap3A_93 = arith.constant 0 : index
    %swap3A_94 = tpu.vector_load %arg5[%swap3A_92, %swap3A_93] {strides = array<i32>} : memref<152x16xf32, #tpu.memory_space<vmem>>, vector<16xf32>,
    tpu.vector_store %arg5[%swap3A_92, %swap3A_93], %broadcast_in_dim3A_90 {strides = array<i32>} : memref<152x16xf32, #tpu.memory_space<vmem>>, vector<16xf32>,
    %broadcast_in_dim3A_95 = arith.constant 0.000000e+00 : f32
    %broadcast_in_dim3A_96 = vector.broadcast %broadcast_in_dim3A_95 : f32 to vector<16xf32>
    %swap3A_97 = arith.constant 16 : i32
    %swap3A_98 = arith.index_cast %swap3A_97 : i32 to index
    %swap3A_99 = arith.constant 0 : index
    %swap3A_100 = tpu.vector_load %arg5[%swap3A_98, %swap3A_99] {strides = array<i32>} : memref<152x16xf32, #tpu.memory_space<vmem>>, vector<16xf32>,
    tpu.vector_store %arg5[%swap3A_98, %swap3A_99], %broadcast_in_dim3A_96 {strides = array<i32>} : memref<152x16xf32, #tpu.memory_space<vmem>>, vector<16xf32>,
    %broadcast_in_dim3A_101 = arith.constant 0.000000e+00 : f32
    %broadcast_in_dim3A_102 = vector.broadcast %broadcast_in_dim3A_101 : f32 to vector<16xf32>
    %swap3A_103 = arith.constant 17 : i32
    %swap3A_104 = arith.index_cast %swap3A_103 : i32 to index
    %swap3A_105 = arith.constant 0 : index
    %swap3A_106 = tpu.vector_load %arg5[%swap3A_104, %swap3A_105] {strides = array<i32>} : memref<152x16xf32, #tpu.memory_space<vmem>>, vector<16xf32>,
    tpu.vector_store %arg5[%swap3A_104, %swap3A_105], %broadcast_in_dim3A_102 {strides = array<i32>} : memref<152x16xf32, #tpu.memory_space<vmem>>, vector<16xf32>,
    %broadcast_in_dim3A_107 = arith.constant 0.000000e+00 : f32
    %broadcast_in_dim3A_108 = vector.broadcast %broadcast_in_dim3A_107 : f32 to vector<16xf32>
    %swap3A_109 = arith.constant 18 : i32
    %swap3A_110 = arith.index_cast %swap3A_109 : i32 to index
    %swap3A_111 = arith.constant 0 : index
    %swap3A_112 = tpu.vector_load %arg5[%swap3A_110, %swap3A_111] {strides = array<i32>} : memref<152x16xf32, #tpu.memory_space<vmem>>, vector<16xf32>,
    tpu.vector_store %arg5[%swap3A_110, %swap3A_111], %broadcast_in_dim3A_108 {strides = array<i32>} : memref<152x16xf32, #tpu.memory_space<vmem>>, vector<16xf32>,
    %broadcast_in_dim3A_113 = arith.constant 0.000000e+00 : f32
    %broadcast_in_dim3A_114 = vector.broadcast %broadcast_in_dim3A_113 : f32 to vector<16xf32>
    %swap3A_115 = arith.constant 19 : i32
    %swap3A_116 = arith.index_cast %swap3A_115 : i32 to index
    %swap3A_117 = arith.constant 0 : index
    %swap3A_118 = tpu.vector_load %arg5[%swap3A_116, %swap3A_117] {strides = array<i32>} : memref<152x16xf32, #tpu.memory_space<vmem>>, vector<16xf32>,
    tpu.vector_store %arg5[%swap3A_116, %swap3A_117], %broadcast_in_dim3A_114 {strides = array<i32>} : memref<152x16xf32, #tpu.memory_space<vmem>>, vector<16xf32>,
    %broadcast_in_dim3A_119 = arith.constant 0.000000e+00 : f32
    %broadcast_in_dim3A_120 = vector.broadcast %broadcast_in_dim3A_119 : f32 to vector<16xf32>
    %swap3A_121 = arith.constant 20 : i32
    %swap3A_122 = arith.index_cast %swap3A_121 : i32 to index
    %swap3A_123 = arith.constant 0 : index
    %swap3A_124 = tpu.vector_load %arg5[%swap3A_122, %swap3A_123] {strides = array<i32>} : memref<152x16xf32, #tpu.memory_space<vmem>>, vector<16xf32>,
    tpu.vector_store %arg5[%swap3A_122, %swap3A_123], %broadcast_in_dim3A_120 {strides = array<i32>} : memref<152x16xf32, #tpu.memory_space<vmem>>, vector<16xf32>,
    %broadcast_in_dim3A_125 = arith.constant 0.000000e+00 : f32
    %broadcast_in_dim3A_126 = vector.broadcast %broadcast_in_dim3A_125 : f32 to vector<16xf32>
    %swap3A_127 = arith.constant 21 : i32
    %swap3A_128 = arith.index_cast %swap3A_127 : i32 to index
    %swap3A_129 = arith.constant 0 : index
    %swap3A_130 = tpu.vector_load %arg5[%swap3A_128, %swap3A_129] {strides = array<i32>} : memref<152x16xf32, #tpu.memory_space<vmem>>, vector<16xf32>,
    tpu.vector_store %arg5[%swap3A_128, %swap3A_129], %broadcast_in_dim3A_126 {strides = array<i32>} : memref<152x16xf32, #tpu.memory_space<vmem>>, vector<16xf32>,
    %broadcast_in_dim3A_131 = arith.constant 0.000000e+00 : f32
    %broadcast_in_dim3A_132 = vector.broadcast %broadcast_in_dim3A_131 : f32 to vector<16xf32>
    %swap3A_133 = arith.constant 22 : i32
    %swap3A_134 = arith.index_cast %swap3A_133 : i32 to index
    %swap3A_135 = arith.constant 0 : index
    %swap3A_136 = tpu.vector_load %arg5[%swap3A_134, %swap3A_135] {strides = array<i32>} : memref<152x16xf32, #tpu.memory_space<vmem>>, vector<16xf32>,
    tpu.vector_store %arg5[%swap3A_134, %swap3A_135], %broadcast_in_dim3A_132 {strides = array<i32>} : memref<152x16xf32, #tpu.memory_space<vmem>>, vector<16xf32>,
    %broadcast_in_dim3A_137 = arith.constant 0.000000e+00 : f32
    %broadcast_in_dim3A_138 = vector.broadcast %broadcast_in_dim3A_137 : f32 to vector<16xf32>
    %swap3A_139 = arith.constant 23 : i32
    %swap3A_140 = arith.index_cast %swap3A_139 : i32 to index
    %swap3A_141 = arith.constant 0 : index
    %swap3A_142 = tpu.vector_load %arg5[%swap3A_140, %swap3A_141] {strides = array<i32>} : memref<152x16xf32, #tpu.memory_space<vmem>>, vector<16xf32>,
    tpu.vector_store %arg5[%swap3A_140, %swap3A_141], %broadcast_in_dim3A_138 {strides = array<i32>} : memref<152x16xf32, #tpu.memory_space<vmem>>, vector<16xf32>,
    %broadcast_in_dim3A_143 = arith.constant 0.000000e+00 : f32
    %broadcast_in_dim3A_144 = vector.broadcast %broadcast_in_dim3A_143 : f32 to vector<16xf32>
    %swap3A_145 = arith.constant 24 : i32
    %swap3A_146 = arith.index_cast %swap3A_145 : i32 to index
    %swap3A_147 = arith.constant 0 : index
    %swap3A_148 = tpu.vector_load %arg5[%swap3A_146, %swap3A_147] {strides = array<i32>} : memref<152x16xf32, #tpu.memory_space<vmem>>, vector<16xf32>,
    tpu.vector_store %arg5[%swap3A_146, %swap3A_147], %broadcast_in_dim3A_144 {strides = array<i32>} : memref<152x16xf32, #tpu.memory_space<vmem>>, vector<16xf32>,
    %broadcast_in_dim3A_149 = arith.constant 0.000000e+00 : f32
    %broadcast_in_dim3A_150 = vector.broadcast %broadcast_in_dim3A_149 : f32 to vector<16xf32>
    %swap3A_151 = arith.constant 25 : i32
    %swap3A_152 = arith.index_cast %swap3A_151 : i32 to index
    %swap3A_153 = arith.constant 0 : index
    %swap3A_154 = tpu.vector_load %arg5[%swap3A_152, %swap3A_153] {strides = array<i32>} : memref<152x16xf32, #tpu.memory_space<vmem>>, vector<16xf32>,
    tpu.vector_store %arg5[%swap3A_152, %swap3A_153], %broadcast_in_dim3A_150 {strides = array<i32>} : memref<152x16xf32, #tpu.memory_space<vmem>>, vector<16xf32>,
    %broadcast_in_dim3A_155 = arith.constant 0.000000e+00 : f32
    %broadcast_in_dim3A_156 = vector.broadcast %broadcast_in_dim3A_155 : f32 to vector<16xf32>
    %swap3A_157 = arith.constant 26 : i32
    %swap3A_158 = arith.index_cast %swap3A_157 : i32 to index
    %swap3A_159 = arith.constant 0 : index
    %swap3A_160 = tpu.vector_load %arg5[%swap3A_158, %swap3A_159] {strides = array<i32>} : memref<152x16xf32, #tpu.memory_space<vmem>>, vector<16xf32>,
    tpu.vector_store %arg5[%swap3A_158, %swap3A_159], %broadcast_in_dim3A_156 {strides = array<i32>} : memref<152x16xf32, #tpu.memory_space<vmem>>, vector<16xf32>,
    %broadcast_in_dim3A_161 = arith.constant 0.000000e+00 : f32
    %broadcast_in_dim3A_162 = vector.broadcast %broadcast_in_dim3A_161 : f32 to vector<16xf32>
    %swap3A_163 = arith.constant 27 : i32
    %swap3A_164 = arith.index_cast %swap3A_163 : i32 to index
    %swap3A_165 = arith.constant 0 : index
    %swap3A_166 = tpu.vector_load %arg5[%swap3A_164, %swap3A_165] {strides = array<i32>} : memref<152x16xf32, #tpu.memory_space<vmem>>, vector<16xf32>,
    tpu.vector_store %arg5[%swap3A_164, %swap3A_165], %broadcast_in_dim3A_162 {strides = array<i32>} : memref<152x16xf32, #tpu.memory_space<vmem>>, vector<16xf32>,
    %broadcast_in_dim3A_167 = arith.constant 0.000000e+00 : f32
    %broadcast_in_dim3A_168 = vector.broadcast %broadcast_in_dim3A_167 : f32 to vector<16xf32>
    %swap3A_169 = arith.constant 28 : i32
    %swap3A_170 = arith.index_cast %swap3A_169 : i32 to index
    %swap3A_171 = arith.constant 0 : index
    %swap3A_172 = tpu.vector_load %arg5[%swap3A_170, %swap3A_171] {strides = array<i32>} : memref<152x16xf32, #tpu.memory_space<vmem>>, vector<16xf32>,
    tpu.vector_store %arg5[%swap3A_170, %swap3A_171], %broadcast_in_dim3A_168 {strides = array<i32>} : memref<152x16xf32, #tpu.memory_space<vmem>>, vector<16xf32>,
    %broadcast_in_dim3A_173 = arith.constant 0.000000e+00 : f32
    %broadcast_in_dim3A_174 = vector.broadcast %broadcast_in_dim3A_173 : f32 to vector<16xf32>
    %swap3A_175 = arith.constant 29 : i32
    %swap3A_176 = arith.index_cast %swap3A_175 : i32 to index
    %swap3A_177 = arith.constant 0 : index
    %swap3A_178 = tpu.vector_load %arg5[%swap3A_176, %swap3A_177] {strides = array<i32>} : memref<152x16xf32, #tpu.memory_space<vmem>>, vector<16xf32>,
    tpu.vector_store %arg5[%swap3A_176, %swap3A_177], %broadcast_in_dim3A_174 {strides = array<i32>} : memref<152x16xf32, #tpu.memory_space<vmem>>, vector<16xf32>,
    %broadcast_in_dim3A_179 = arith.constant 0.000000e+00 : f32
    %broadcast_in_dim3A_180 = vector.broadcast %broadcast_in_dim3A_179 : f32 to vector<16xf32>
    %swap3A_181 = arith.constant 30 : i32
    %swap3A_182 = arith.index_cast %swap3A_181 : i32 to index
    %swap3A_183 = arith.constant 0 : index
    %swap3A_184 = tpu.vector_load %arg5[%swap3A_182, %swap3A_183] {strides = array<i32>} : memref<152x16xf32, #tpu.memory_space<vmem>>, vector<16xf32>,
    tpu.vector_store %arg5[%swap3A_182, %swap3A_183], %broadcast_in_dim3A_180 {strides = array<i32>} : memref<152x16xf32, #tpu.memory_space<vmem>>, vector<16xf32>,
    %broadcast_in_dim3A_185 = arith.constant 0.000000e+00 : f32
    %broadcast_in_dim3A_186 = vector.broadcast %broadcast_in_dim3A_185 : f32 to vector<16xf32>
    %swap3A_187 = arith.constant 31 : i32
    %swap3A_188 = arith.index_cast %swap3A_187 : i32 to index
    %swap3A_189 = arith.constant 0 : index
    %swap3A_190 = tpu.vector_load %arg5[%swap3A_188, %swap3A_189] {strides = array<i32>} : memref<152x16xf32, #tpu.memory_space<vmem>>, vector<16xf32>,
    tpu.vector_store %arg5[%swap3A_188, %swap3A_189], %broadcast_in_dim3A_186 {strides = array<i32>} : memref<152x16xf32, #tpu.memory_space<vmem>>, vector<16xf32>,
    %broadcast_in_dim3A_191 = arith.constant 0.000000e+00 : f32
    %broadcast_in_dim3A_192 = vector.broadcast %broadcast_in_dim3A_191 : f32 to vector<16xf32>
    %swap3A_193 = arith.constant 32 : i32
    %swap3A_194 = arith.index_cast %swap3A_193 : i32 to index
    %swap3A_195 = arith.constant 0 : index
    %swap3A_196 = tpu.vector_load %arg5[%swap3A_194, %swap3A_195] {strides = array<i32>} : memref<152x16xf32, #tpu.memory_space<vmem>>, vector<16xf32>,
    tpu.vector_store %arg5[%swap3A_194, %swap3A_195], %broadcast_in_dim3A_192 {strides = array<i32>} : memref<152x16xf32, #tpu.memory_space<vmem>>, vector<16xf32>,
    %broadcast_in_dim3A_197 = arith.constant 0.000000e+00 : f32
    %broadcast_in_dim3A_198 = vector.broadcast %broadcast_in_dim3A_197 : f32 to vector<16xf32>
    %swap3A_199 = arith.constant 33 : i32
    %swap3A_200 = arith.index_cast %swap3A_199 : i32 to index
    %swap3A_201 = arith.constant 0 : index
    %swap3A_202 = tpu.vector_load %arg5[%swap3A_200, %swap3A_201] {strides = array<i32>} : memref<152x16xf32, #tpu.memory_space<vmem>>, vector<16xf32>,
    tpu.vector_store %arg5[%swap3A_200, %swap3A_201], %broadcast_in_dim3A_198 {strides = array<i32>} : memref<152x16xf32, #tpu.memory_space<vmem>>, vector<16xf32>,
    %broadcast_in_dim3A_203 = arith.constant 0.000000e+00 : f32
    %broadcast_in_dim3A_204 = vector.broadcast %broadcast_in_dim3A_203 : f32 to vector<16xf32>
    %swap3A_205 = arith.constant 34 : i32
    %swap3A_206 = arith.index_cast %swap3A_205 : i32 to index
    %swap3A_207 = arith.constant 0 : index
    %swap3A_208 = tpu.vector_load %arg5[%swap3A_206, %swap3A_207] {strides = array<i32>} : memref<152x16xf32, #tpu.memory_space<vmem>>, vector<16xf32>,
    tpu.vector_store %arg5[%swap3A_206, %swap3A_207], %broadcast_in_dim3A_204 {strides = array<i32>} : memref<152x16xf32, #tpu.memory_space<vmem>>, vector<16xf32>,
    %broadcast_in_dim3A_209 = arith.constant 0.000000e+00 : f32
    %broadcast_in_dim3A_210 = vector.broadcast %broadcast_in_dim3A_209 : f32 to vector<16xf32>
    %swap3A_211 = arith.constant 35 : i32
    %swap3A_212 = arith.index_cast %swap3A_211 : i32 to index
    %swap3A_213 = arith.constant 0 : index
    %swap3A_214 = tpu.vector_load %arg5[%swap3A_212, %swap3A_213] {strides = array<i32>} : memref<152x16xf32, #tpu.memory_space<vmem>>, vector<16xf32>,
    tpu.vector_store %arg5[%swap3A_212, %swap3A_213], %broadcast_in_dim3A_210 {strides = array<i32>} : memref<152x16xf32, #tpu.memory_space<vmem>>, vector<16xf32>,
    %broadcast_in_dim3A_215 = arith.constant 0.000000e+00 : f32
    %broadcast_in_dim3A_216 = vector.broadcast %broadcast_in_dim3A_215 : f32 to vector<16xf32>
    %swap3A_217 = arith.constant 36 : i32
    %swap3A_218 = arith.index_cast %swap3A_217 : i32 to index
    %swap3A_219 = arith.constant 0 : index
    %swap3A_220 = tpu.vector_load %arg5[%swap3A_218, %swap3A_219] {strides = array<i32>} : memref<152x16xf32, #tpu.memory_space<vmem>>, vector<16xf32>,
    tpu.vector_store %arg5[%swap3A_218, %swap3A_219], %broadcast_in_dim3A_216 {strides = array<i32>} : memref<152x16xf32, #tpu.memory_space<vmem>>, vector<16xf32>,
    %broadcast_in_dim3A_221 = arith.constant 0.000000e+00 : f32
    %broadcast_in_dim3A_222 = vector.broadcast %broadcast_in_dim3A_221 : f32 to vector<16xf32>
    %swap3A_223 = arith.constant 37 : i32
    %swap3A_224 = arith.index_cast %swap3A_223 : i32 to index
    %swap3A_225 = arith.constant 0 : index
    %swap3A_226 = tpu.vector_load %arg5[%swap3A_224, %swap3A_225] {strides = array<i32>} : memref<152x16xf32, #tpu.memory_space<vmem>>, vector<16xf32>,
    tpu.vector_store %arg5[%swap3A_224, %swap3A_225], %broadcast_in_dim3A_222 {strides = array<i32>} : memref<152x16xf32, #tpu.memory_space<vmem>>, vector<16xf32>,
    %broadcast_in_dim3A_227 = arith.constant 0.000000e+00 : f32
    %broadcast_in_dim3A_228 = vector.broadcast %broadcast_in_dim3A_227 : f32 to vector<16xf32>
    %swap3A_229 = arith.constant 38 : i32
    %swap3A_230 = arith.index_cast %swap3A_229 : i32 to index
    %swap3A_231 = arith.constant 0 : index
    %swap3A_232 = tpu.vector_load %arg5[%swap3A_230, %swap3A_231] {strides = array<i32>} : memref<152x16xf32, #tpu.memory_space<vmem>>, vector<16xf32>,
    tpu.vector_store %arg5[%swap3A_230, %swap3A_231], %broadcast_in_dim3A_228 {strides = array<i32>} : memref<152x16xf32, #tpu.memory_space<vmem>>, vector<16xf32>,
    %broadcast_in_dim3A_233 = arith.constant 0.000000e+00 : f32
    %broadcast_in_dim3A_234 = vector.broadcast %broadcast_in_dim3A_233 : f32 to vector<16xf32>
    %swap3A_235 = arith.constant 39 : i32
    %swap3A_236 = arith.index_cast %swap3A_235 : i32 to index
    %swap3A_237 = arith.constant 0 : index
    %swap3A_238 = tpu.vector_load %arg5[%swap3A_236, %swap3A_237] {strides = array<i32>} : memref<152x16xf32, #tpu.memory_space<vmem>>, vector<16xf32>,
    tpu.vector_store %arg5[%swap3A_236, %swap3A_237], %broadcast_in_dim3A_234 {strides = array<i32>} : memref<152x16xf32, #tpu.memory_space<vmem>>, vector<16xf32>,
    %broadcast_in_dim3A_239 = arith.constant 0.000000e+00 : f32
    %broadcast_in_dim3A_240 = vector.broadcast %broadcast_in_dim3A_239 : f32 to vector<16xf32>
    %swap3A_241 = arith.constant 40 : i32
    %swap3A_242 = arith.index_cast %swap3A_241 : i32 to index
    %swap3A_243 = arith.constant 0 : index
    %swap3A_244 = tpu.vector_load %arg5[%swap3A_242, %swap3A_243] {strides = array<i32>} : memref<152x16xf32, #tpu.memory_space<vmem>>, vector<16xf32>,
    tpu.vector_store %arg5[%swap3A_242, %swap3A_243], %broadcast_in_dim3A_240 {strides = array<i32>} : memref<152x16xf32, #tpu.memory_space<vmem>>, vector<16xf32>,
    %broadcast_in_dim3A_245 = arith.constant 0.000000e+00 : f32
    %broadcast_in_dim3A_246 = vector.broadcast %broadcast_in_dim3A_245 : f32 to vector<16xf32>
    %swap3A_247 = arith.constant 41 : i32
    %swap3A_248 = arith.index_cast %swap3A_247 : i32 to index
    %swap3A_249 = arith.constant 0 : index
    %swap3A_250 = tpu.vector_load %arg5[%swap3A_248, %swap3A_249] {strides = array<i32>} : memref<152x16xf32, #tpu.memory_space<vmem>>, vector<16xf32>,
    tpu.vector_store %arg5[%swap3A_248, %swap3A_249], %broadcast_in_dim3A_246 {strides = array<i32>} : memref<152x16xf32, #tpu.memory_space<vmem>>, vector<16xf32>,
    %broadcast_in_dim3A_251 = arith.constant 0.000000e+00 : f32
    %broadcast_in_dim3A_252 = vector.broadcast %broadcast_in_dim3A_251 : f32 to vector<16xf32>
    %swap3A_253 = arith.constant 42 : i32
    %swap3A_254 = arith.index_cast %swap3A_253 : i32 to index
    %swap3A_255 = arith.constant 0 : index
    %swap3A_256 = tpu.vector_load %arg5[%swap3A_254, %swap3A_255] {strides = array<i32>} : memref<152x16xf32, #tpu.memory_space<vmem>>, vector<16xf32>,
    tpu.vector_store %arg5[%swap3A_254, %swap3A_255], %broadcast_in_dim3A_252 {strides = array<i32>} : memref<152x16xf32, #tpu.memory_space<vmem>>, vector<16xf32>,
    %broadcast_in_dim3A_257 = arith.constant 0.000000e+00 : f32
    %broadcast_in_dim3A_258 = vector.broadcast %broadcast_in_dim3A_257 : f32 to vector<16xf32>
    %swap3A_259 = arith.constant 43 : i32
    %swap3A_260 = arith.index_cast %swap3A_259 : i32 to index
    %swap3A_261 = arith.constant 0 : index
    %swap3A_262 = tpu.vector_load %arg5[%swap3A_260, %swap3A_261] {strides = array<i32>} : memref<152x16xf32, #tpu.memory_space<vmem>>, vector<16xf32>,
    tpu.vector_store %arg5[%swap3A_260, %swap3A_261], %broadcast_in_dim3A_258 {strides = array<i32>} : memref<152x16xf32, #tpu.memory_space<vmem>>, vector<16xf32>,
    %broadcast_in_dim3A_263 = arith.constant 0.000000e+00 : f32
    %broadcast_in_dim3A_264 = vector.broadcast %broadcast_in_dim3A_263 : f32 to vector<16xf32>
    %swap3A_265 = arith.constant 44 : i32
    %swap3A_266 = arith.index_cast %swap3A_265 : i32 to index
    %swap3A_267 = arith.constant 0 : index
    %swap3A_268 = tpu.vector_load %arg5[%swap3A_266, %swap3A_267] {strides = array<i32>} : memref<152x16xf32, #tpu.memory_space<vmem>>, vector<16xf32>,
    tpu.vector_store %arg5[%swap3A_266, %swap3A_267], %broadcast_in_dim3A_264 {strides = array<i32>} : memref<152x16xf32, #tpu.memory_space<vmem>>, vector<16xf32>,
    %broadcast_in_dim3A_269 = arith.constant 0.000000e+00 : f32
    %broadcast_in_dim3A_270 = vector.broadcast %broadcast_in_dim3A_269 : f32 to vector<16xf32>
    %swap3A_271 = arith.constant 45 : i32
    %swap3A_272 = arith.index_cast %swap3A_271 : i32 to index
    %swap3A_273 = arith.constant 0 : index
    %swap3A_274 = tpu.vector_load %arg5[%swap3A_272, %swap3A_273] {strides = array<i32>} : memref<152x16xf32, #tpu.memory_space<vmem>>, vector<16xf32>,
    tpu.vector_store %arg5[%swap3A_272, %swap3A_273], %broadcast_in_dim3A_270 {strides = array<i32>} : memref<152x16xf32, #tpu.memory_space<vmem>>, vector<16xf32>,
    %broadcast_in_dim3A_275 = arith.constant 0.000000e+00 : f32
    %broadcast_in_dim3A_276 = vector.broadcast %broadcast_in_dim3A_275 : f32 to vector<16xf32>
    %swap3A_277 = arith.constant 46 : i32
    %swap3A_278 = arith.index_cast %swap3A_277 : i32 to index
    %swap3A_279 = arith.constant 0 : index
    %swap3A_280 = tpu.vector_load %arg5[%swap3A_278, %swap3A_279] {strides = array<i32>} : memref<152x16xf32, #tpu.memory_space<vmem>>, vector<16xf32>,
    tpu.vector_store %arg5[%swap3A_278, %swap3A_279], %broadcast_in_dim3A_276 {strides = array<i32>} : memref<152x16xf32, #tpu.memory_space<vmem>>, vector<16xf32>,
    %broadcast_in_dim3A_281 = arith.constant 0.000000e+00 : f32
    %broadcast_in_dim3A_282 = vector.broadcast %broadcast_in_dim3A_281 : f32 to vector<16xf32>
    %swap3A_283 = arith.constant 47 : i32
    %swap3A_284 = arith.index_cast %swap3A_283 : i32 to index
    %swap3A_285 = arith.constant 0 : index
    %swap3A_286 = tpu.vector_load %arg5[%swap3A_284, %swap3A_285] {strides = array<i32>} : memref<152x16xf32, #tpu.memory_space<vmem>>, vector<16xf32>,
    tpu.vector_store %arg5[%swap3A_284, %swap3A_285], %broadcast_in_dim3A_282 {strides = array<i32>} : memref<152x16xf32, #tpu.memory_space<vmem>>, vector<16xf32>,
    %broadcast_in_dim3A_287 = arith.constant 0.000000e+00 : f32
    %broadcast_in_dim3A_288 = vector.broadcast %broadcast_in_dim3A_287 : f32 to vector<16xf32>
    %swap3A_289 = arith.constant 48 : i32
    %swap3A_290 = arith.index_cast %swap3A_289 : i32 to index
    %swap3A_291 = arith.constant 0 : index
    %swap3A_292 = tpu.vector_load %arg5[%swap3A_290, %swap3A_291] {strides = array<i32>} : memref<152x16xf32, #tpu.memory_space<vmem>>, vector<16xf32>,
    tpu.vector_store %arg5[%swap3A_290, %swap3A_291], %broadcast_in_dim3A_288 {strides = array<i32>} : memref<152x16xf32, #tpu.memory_space<vmem>>, vector<16xf32>,
    %broadcast_in_dim3A_293 = arith.constant 0.000000e+00 : f32
    %broadcast_in_dim3A_294 = vector.broadcast %broadcast_in_dim3A_293 : f32 to vector<16xf32>
    %swap3A_295 = arith.constant 49 : i32
    %swap3A_296 = arith.index_cast %swap3A_295 : i32 to index
    %swap3A_297 = arith.constant 0 : index
    %swap3A_298 = tpu.vector_load %arg5[%swap3A_296, %swap3A_297] {strides = array<i32>} : memref<152x16xf32, #tpu.memory_space<vmem>>, vector<16xf32>,
    tpu.vector_store %arg5[%swap3A_296, %swap3A_297], %broadcast_in_dim3A_294 {strides = array<i32>} : memref<152x16xf32, #tpu.memory_space<vmem>>, vector<16xf32>,
    %broadcast_in_dim3A_299 = arith.constant 0.000000e+00 : f32
    %broadcast_in_dim3A_300 = vector.broadcast %broadcast_in_dim3A_299 : f32 to vector<16xf32>
    %swap3A_301 = arith.constant 50 : i32
    %swap3A_302 = arith.index_cast %swap3A_301 : i32 to index
    %swap3A_303 = arith.constant 0 : index
    %swap3A_304 = tpu.vector_load %arg5[%swap3A_302, %swap3A_303] {strides = array<i32>} : memref<152x16xf32, #tpu.memory_space<vmem>>, vector<16xf32>,
    tpu.vector_store %arg5[%swap3A_302, %swap3A_303], %broadcast_in_dim3A_300 {strides = array<i32>} : memref<152x16xf32, #tpu.memory_space<vmem>>, vector<16xf32>,
    %broadcast_in_dim3A_305 = arith.constant 0.000000e+00 : f32
    %broadcast_in_dim3A_306 = vector.broadcast %broadcast_in_dim3A_305 : f32 to vector<16xf32>
    %swap3A_307 = arith.constant 51 : i32
    %swap3A_308 = arith.index_cast %swap3A_307 : i32 to index
    %swap3A_309 = arith.constant 0 : index
    %swap3A_310 = tpu.vector_load %arg5[%swap3A_308, %swap3A_309] {strides = array<i32>} : memref<152x16xf32, #tpu.memory_space<vmem>>, vector<16xf32>,
    tpu.vector_store %arg5[%swap3A_308, %swap3A_309], %broadcast_in_dim3A_306 {strides = array<i32>} : memref<152x16xf32, #tpu.memory_space<vmem>>, vector<16xf32>,
    %broadcast_in_dim3A_311 = arith.constant 0.000000e+00 : f32
    %broadcast_in_dim3A_312 = vector.broadcast %broadcast_in_dim3A_311 : f32 to vector<16xf32>
    %swap3A_313 = arith.constant 52 : i32
    %swap3A_314 = arith.index_cast %swap3A_313 : i32 to index
    %swap3A_315 = arith.constant 0 : index
    %swap3A_316 = tpu.vector_load %arg5[%swap3A_314, %swap3A_315] {strides = array<i32>} : memref<152x16xf32, #tpu.memory_space<vmem>>, vector<16xf32>,
    tpu.vector_store %arg5[%swap3A_314, %swap3A_315], %broadcast_in_dim3A_312 {strides = array<i32>} : memref<152x16xf32, #tpu.memory_space<vmem>>, vector<16xf32>,
    %broadcast_in_dim3A_317 = arith.constant 0.000000e+00 : f32
    %broadcast_in_dim3A_318 = vector.broadcast %broadcast_in_dim3A_317 : f32 to vector<16xf32>
    %swap3A_319 = arith.constant 53 : i32
    %swap3A_320 = arith.index_cast %swap3A_319 : i32 to index
    %swap3A_321 = arith.constant 0 : index
    %swap3A_322 = tpu.vector_load %arg5[%swap3A_320, %swap3A_321] {strides = array<i32>} : memref<152x16xf32, #tpu.memory_space<vmem>>, vector<16xf32>,
    tpu.vector_store %arg5[%swap3A_320, %swap3A_321], %broadcast_in_dim3A_318 {strides = array<i32>} : memref<152x16xf32, #tpu.memory_space<vmem>>, vector<16xf32>,
    %broadcast_in_dim3A_323 = arith.constant 0.000000e+00 : f32
    %broadcast_in_dim3A_324 = vector.broadcast %broadcast_in_dim3A_323 : f32 to vector<16xf32>
    %swap3A_325 = arith.constant 54 : i32
    %swap3A_326 = arith.index_cast %swap3A_325 : i32 to index
    %swap3A_327 = arith.constant 0 : index
    %swap3A_328 = tpu.vector_load %arg5[%swap3A_326, %swap3A_327] {strides = array<i32>} : memref<152x16xf32, #tpu.memory_space<vmem>>, vector<16xf32>,
    tpu.vector_store %arg5[%swap3A_326, %swap3A_327], %broadcast_in_dim3A_324 {strides = array<i32>} : memref<152x16xf32, #tpu.memory_space<vmem>>, vector<16xf32>,
    %broadcast_in_dim3A_329 = arith.constant 0.000000e+00 : f32
    %broadcast_in_dim3A_330 = vector.broadcast %broadcast_in_dim3A_329 : f32 to vector<16xf32>
    %swap3A_331 = arith.constant 55 : i32
    %swap3A_332 = arith.index_cast %swap3A_331 : i32 to index
    %swap3A_333 = arith.constant 0 : index
    %swap3A_334 = tpu.vector_load %arg5[%swap3A_332, %swap3A_333] {strides = array<i32>} : memref<152x16xf32, #tpu.memory_space<vmem>>, vector<16xf32>,
    tpu.vector_store %arg5[%swap3A_332, %swap3A_333], %broadcast_in_dim3A_330 {strides = array<i32>} : memref<152x16xf32, #tpu.memory_space<vmem>>, vector<16xf32>,
    %broadcast_in_dim3A_335 = arith.constant 0.000000e+00 : f32
    %broadcast_in_dim3A_336 = vector.broadcast %broadcast_in_dim3A_335 : f32 to vector<16xf32>
    %swap3A_337 = arith.constant 56 : i32
    %swap3A_338 = arith.index_cast %swap3A_337 : i32 to index
    %swap3A_339 = arith.constant 0 : index
    %swap3A_340 = tpu.vector_load %arg5[%swap3A_338, %swap3A_339] {strides = array<i32>} : memref<152x16xf32, #tpu.memory_space<vmem>>, vector<16xf32>,
    tpu.vector_store %arg5[%swap3A_338, %swap3A_339], %broadcast_in_dim3A_336 {strides = array<i32>} : memref<152x16xf32, #tpu.memory_space<vmem>>, vector<16xf32>,
    %broadcast_in_dim3A_341 = arith.constant 0.000000e+00 : f32
    %broadcast_in_dim3A_342 = vector.broadcast %broadcast_in_dim3A_341 : f32 to vector<16xf32>
    %swap3A_343 = arith.constant 57 : i32
    %swap3A_344 = arith.index_cast %swap3A_343 : i32 to index
    %swap3A_345 = arith.constant 0 : index
    %swap3A_346 = tpu.vector_load %arg5[%swap3A_344, %swap3A_345] {strides = array<i32>} : memref<152x16xf32, #tpu.memory_space<vmem>>, vector<16xf32>,
    tpu.vector_store %arg5[%swap3A_344, %swap3A_345], %broadcast_in_dim3A_342 {strides = array<i32>} : memref<152x16xf32, #tpu.memory_space<vmem>>, vector<16xf32>,
    %broadcast_in_dim3A_347 = arith.constant 0.000000e+00 : f32
    %broadcast_in_dim3A_348 = vector.broadcast %broadcast_in_dim3A_347 : f32 to vector<16xf32>
    %swap3A_349 = arith.constant 58 : i32
    %swap3A_350 = arith.index_cast %swap3A_349 : i32 to index
    %swap3A_351 = arith.constant 0 : index
    %swap3A_352 = tpu.vector_load %arg5[%swap3A_350, %swap3A_351] {strides = array<i32>} : memref<152x16xf32, #tpu.memory_space<vmem>>, vector<16xf32>,
    tpu.vector_store %arg5[%swap3A_350, %swap3A_351], %broadcast_in_dim3A_348 {strides = array<i32>} : memref<152x16xf32, #tpu.memory_space<vmem>>, vector<16xf32>,
    %broadcast_in_dim3A_353 = arith.constant 0.000000e+00 : f32
    %broadcast_in_dim3A_354 = vector.broadcast %broadcast_in_dim3A_353 : f32 to vector<16xf32>
    %swap3A_355 = arith.constant 59 : i32
    %swap3A_356 = arith.index_cast %swap3A_355 : i32 to index
    %swap3A_357 = arith.constant 0 : index
    %swap3A_358 = tpu.vector_load %arg5[%swap3A_356, %swap3A_357] {strides = array<i32>} : memref<152x16xf32, #tpu.memory_space<vmem>>, vector<16xf32>,
    tpu.vector_store %arg5[%swap3A_356, %swap3A_357], %broadcast_in_dim3A_354 {strides = array<i32>} : memref<152x16xf32, #tpu.memory_space<vmem>>, vector<16xf32>,
    %broadcast_in_dim3A_359 = arith.constant 0.000000e+00 : f32
    %broadcast_in_dim3A_360 = vector.broadcast %broadcast_in_dim3A_359 : f32 to vector<16xf32>
    %swap3A_361 = arith.constant 60 : i32
    %swap3A_362 = arith.index_cast %swap3A_361 : i32 to index
    %swap3A_363 = arith.constant 0 : index
    %swap3A_364 = tpu.vector_load %arg5[%swap3A_362, %swap3A_363] {strides = array<i32>} : memref<152x16xf32, #tpu.memory_space<vmem>>, vector<16xf32>,
    tpu.vector_store %arg5[%swap3A_362, %swap3A_363], %broadcast_in_dim3A_360 {strides = array<i32>} : memref<152x16xf32, #tpu.memory_space<vmem>>, vector<16xf32>,
    %broadcast_in_dim3A_365 = arith.constant 0.000000e+00 : f32
    %broadcast_in_dim3A_366 = vector.broadcast %broadcast_in_dim3A_365 : f32 to vector<16xf32>
    %swap3A_367 = arith.constant 61 : i32
    %swap3A_368 = arith.index_cast %swap3A_367 : i32 to index
    %swap3A_369 = arith.constant 0 : index
    %swap3A_370 = tpu.vector_load %arg5[%swap3A_368, %swap3A_369] {strides = array<i32>} : memref<152x16xf32, #tpu.memory_space<vmem>>, vector<16xf32>,
    tpu.vector_store %arg5[%swap3A_368, %swap3A_369], %broadcast_in_dim3A_366 {strides = array<i32>} : memref<152x16xf32, #tpu.memory_space<vmem>>, vector<16xf32>,
    %broadcast_in_dim3A_371 = arith.constant 0.000000e+00 : f32
    %broadcast_in_dim3A_372 = vector.broadcast %broadcast_in_dim3A_371 : f32 to vector<16xf32>
    %swap3A_373 = arith.constant 62 : i32
    %swap3A_374 = arith.index_cast %swap3A_373 : i32 to index
    %swap3A_375 = arith.constant 0 : index
    %swap3A_376 = tpu.vector_load %arg5[%swap3A_374, %swap3A_375] {strides = array<i32>} : memref<152x16xf32, #tpu.memory_space<vmem>>, vector<16xf32>,
    tpu.vector_store %arg5[%swap3A_374, %swap3A_375], %broadcast_in_dim3A_372 {strides = array<i32>} : memref<152x16xf32, #tpu.memory_space<vmem>>, vector<16xf32>,
    %broadcast_in_dim3A_377 = arith.constant 0.000000e+00 : f32
    %broadcast_in_dim3A_378 = vector.broadcast %broadcast_in_dim3A_377 : f32 to vector<16xf32>
    %swap3A_379 = arith.constant 63 : i32
    %swap3A_380 = arith.index_cast %swap3A_379 : i32 to index
    %swap3A_381 = arith.constant 0 : index
    %swap3A_382 = tpu.vector_load %arg5[%swap3A_380, %swap3A_381] {strides = array<i32>} : memref<152x16xf32, #tpu.memory_space<vmem>>, vector<16xf32>,
    tpu.vector_store %arg5[%swap3A_380, %swap3A_381], %broadcast_in_dim3A_378 {strides = array<i32>} : memref<152x16xf32, #tpu.memory_space<vmem>>, vector<16xf32>,
    %broadcast_in_dim3A_383 = arith.constant 0.000000e+00 : f32
    %broadcast_in_dim3A_384 = vector.broadcast %broadcast_in_dim3A_383 : f32 to vector<16xf32>
    %swap3A_385 = arith.constant 64 : i32
    %swap3A_386 = arith.index_cast %swap3A_385 : i32 to index
    %swap3A_387 = arith.constant 0 : index
    %swap3A_388 = tpu.vector_load %arg5[%swap3A_386, %swap3A_387] {strides = array<i32>} : memref<152x16xf32, #tpu.memory_space<vmem>>, vector<16xf32>,
    tpu.vector_store %arg5[%swap3A_386, %swap3A_387], %broadcast_in_dim3A_384 {strides = array<i32>} : memref<152x16xf32, #tpu.memory_space<vmem>>, vector<16xf32>,
    %broadcast_in_dim3A_389 = arith.constant 0.000000e+00 : f32
    %broadcast_in_dim3A_390 = vector.broadcast %broadcast_in_dim3A_389 : f32 to vector<16xf32>
    %swap3A_391 = arith.constant 65 : i32
    %swap3A_392 = arith.index_cast %swap3A_391 : i32 to index
    %swap3A_393 = arith.constant 0 : index
    %swap3A_394 = tpu.vector_load %arg5[%swap3A_392, %swap3A_393] {strides = array<i32>} : memref<152x16xf32, #tpu.memory_space<vmem>>, vector<16xf32>,
    tpu.vector_store %arg5[%swap3A_392, %swap3A_393], %broadcast_in_dim3A_390 {strides = array<i32>} : memref<152x16xf32, #tpu.memory_space<vmem>>, vector<16xf32>,
    %broadcast_in_dim3A_395 = arith.constant 0.000000e+00 : f32
    %broadcast_in_dim3A_396 = vector.broadcast %broadcast_in_dim3A_395 : f32 to vector<16xf32>
    %swap3A_397 = arith.constant 66 : i32
    %swap3A_398 = arith.index_cast %swap3A_397 : i32 to index
    %swap3A_399 = arith.constant 0 : index
    %swap3A_400 = tpu.vector_load %arg5[%swap3A_398, %swap3A_399] {strides = array<i32>} : memref<152x16xf32, #tpu.memory_space<vmem>>, vector<16xf32>,
    tpu.vector_store %arg5[%swap3A_398, %swap3A_399], %broadcast_in_dim3A_396 {strides = array<i32>} : memref<152x16xf32, #tpu.memory_space<vmem>>, vector<16xf32>,
    %broadcast_in_dim3A_401 = arith.constant 0.000000e+00 : f32
    %broadcast_in_dim3A_402 = vector.broadcast %broadcast_in_dim3A_401 : f32 to vector<16xf32>
    %swap3A_403 = arith.constant 67 : i32
    %swap3A_404 = arith.index_cast %swap3A_403 : i32 to index
    %swap3A_405 = arith.constant 0 : index
    %swap3A_406 = tpu.vector_load %arg5[%swap3A_404, %swap3A_405] {strides = array<i32>} : memref<152x16xf32, #tpu.memory_space<vmem>>, vector<16xf32>,
    tpu.vector_store %arg5[%swap3A_404, %swap3A_405], %broadcast_in_dim3A_402 {strides = array<i32>} : memref<152x16xf32, #tpu.memory_space<vmem>>, vector<16xf32>,
    %broadcast_in_dim3A_407 = arith.constant 0.000000e+00 : f32
    %broadcast_in_dim3A_408 = vector.broadcast %broadcast_in_dim3A_407 : f32 to vector<16xf32>
    %swap3A_409 = arith.constant 68 : i32
    %swap3A_410 = arith.index_cast %swap3A_409 : i32 to index
    %swap3A_411 = arith.constant 0 : index
    %swap3A_412 = tpu.vector_load %arg5[%swap3A_410, %swap3A_411] {strides = array<i32>} : memref<152x16xf32, #tpu.memory_space<vmem>>, vector<16xf32>,
    tpu.vector_store %arg5[%swap3A_410, %swap3A_411], %broadcast_in_dim3A_408 {strides = array<i32>} : memref<152x16xf32, #tpu.memory_space<vmem>>, vector<16xf32>,
    %broadcast_in_dim3A_413 = arith.constant 0.000000e+00 : f32
    %broadcast_in_dim3A_414 = vector.broadcast %broadcast_in_dim3A_413 : f32 to vector<16xf32>
    %swap3A_415 = arith.constant 69 : i32
    %swap3A_416 = arith.index_cast %swap3A_415 : i32 to index
    %swap3A_417 = arith.constant 0 : index
    %swap3A_418 = tpu.vector_load %arg5[%swap3A_416, %swap3A_417] {strides = array<i32>} : memref<152x16xf32, #tpu.memory_space<vmem>>, vector<16xf32>,
    tpu.vector_store %arg5[%swap3A_416, %swap3A_417], %broadcast_in_dim3A_414 {strides = array<i32>} : memref<152x16xf32, #tpu.memory_space<vmem>>, vector<16xf32>,
    %broadcast_in_dim3A_419 = arith.constant 0.000000e+00 : f32
    %broadcast_in_dim3A_420 = vector.broadcast %broadcast_in_dim3A_419 : f32 to vector<16xf32>
    %swap3A_421 = arith.constant 70 : i32
    %swap3A_422 = arith.index_cast %swap3A_421 : i32 to index
    %swap3A_423 = arith.constant 0 : index
    %swap3A_424 = tpu.vector_load %arg5[%swap3A_422, %swap3A_423] {strides = array<i32>} : memref<152x16xf32, #tpu.memory_space<vmem>>, vector<16xf32>,
    tpu.vector_store %arg5[%swap3A_422, %swap3A_423], %broadcast_in_dim3A_420 {strides = array<i32>} : memref<152x16xf32, #tpu.memory_space<vmem>>, vector<16xf32>,
    %broadcast_in_dim3A_425 = arith.constant 0.000000e+00 : f32
    %broadcast_in_dim3A_426 = vector.broadcast %broadcast_in_dim3A_425 : f32 to vector<16xf32>
    %swap3A_427 = arith.constant 71 : i32
    %swap3A_428 = arith.index_cast %swap3A_427 : i32 to index
    %swap3A_429 = arith.constant 0 : index
    %swap3A_430 = tpu.vector_load %arg5[%swap3A_428, %swap3A_429] {strides = array<i32>} : memref<152x16xf32, #tpu.memory_space<vmem>>, vector<16xf32>,
    tpu.vector_store %arg5[%swap3A_428, %swap3A_429], %broadcast_in_dim3A_426 {strides = array<i32>} : memref<152x16xf32, #tpu.memory_space<vmem>>, vector<16xf32>,
    %broadcast_in_dim3A_431 = arith.constant 0.000000e+00 : f32
    %broadcast_in_dim3A_432 = vector.broadcast %broadcast_in_dim3A_431 : f32 to vector<16xf32>
    %swap3A_433 = arith.constant 72 : i32
    %swap3A_434 = arith.index_cast %swap3A_433 : i32 to index
    %swap3A_435 = arith.constant 0 : index
    %swap3A_436 = tpu.vector_load %arg5[%swap3A_434, %swap3A_435] {strides = array<i32>} : memref<152x16xf32, #tpu.memory_space<vmem>>, vector<16xf32>,
    tpu.vector_store %arg5[%swap3A_434, %swap3A_435], %broadcast_in_dim3A_432 {strides = array<i32>} : memref<152x16xf32, #tpu.memory_space<vmem>>, vector<16xf32>,
    %broadcast_in_dim3A_437 = arith.constant 0.000000e+00 : f32
    %broadcast_in_dim3A_438 = vector.broadcast %broadcast_in_dim3A_437 : f32 to vector<16xf32>
    %swap3A_439 = arith.constant 73 : i32
    %swap3A_440 = arith.index_cast %swap3A_439 : i32 to index
    %swap3A_441 = arith.constant 0 : index
    %swap3A_442 = tpu.vector_load %arg5[%swap3A_440, %swap3A_441] {strides = array<i32>} : memref<152x16xf32, #tpu.memory_space<vmem>>, vector<16xf32>,
    tpu.vector_store %arg5[%swap3A_440, %swap3A_441], %broadcast_in_dim3A_438 {strides = array<i32>} : memref<152x16xf32, #tpu.memory_space<vmem>>, vector<16xf32>,
    %broadcast_in_dim3A_443 = arith.constant 0.000000e+00 : f32
    %broadcast_in_dim3A_444 = vector.broadcast %broadcast_in_dim3A_443 : f32 to vector<16xf32>
    %swap3A_445 = arith.constant 74 : i32
    %swap3A_446 = arith.index_cast %swap3A_445 : i32 to index
    %swap3A_447 = arith.constant 0 : index
    %swap3A_448 = tpu.vector_load %arg5[%swap3A_446, %swap3A_447] {strides = array<i32>} : memref<152x16xf32, #tpu.memory_space<vmem>>, vector<16xf32>,
    tpu.vector_store %arg5[%swap3A_446, %swap3A_447], %broadcast_in_dim3A_444 {strides = array<i32>} : memref<152x16xf32, #tpu.memory_space<vmem>>, vector<16xf32>,
    %broadcast_in_dim3A_449 = arith.constant 0.000000e+00 : f32
    %broadcast_in_dim3A_450 = vector.broadcast %broadcast_in_dim3A_449 : f32 to vector<16xf32>
    %swap3A_451 = arith.constant 75 : i32
    %swap3A_452 = arith.index_cast %swap3A_451 : i32 to index
    %swap3A_453 = arith.constant 0 : index
    %swap3A_454 = tpu.vector_load %arg5[%swap3A_452, %swap3A_453] {strides = array<i32>} : memref<152x16xf32, #tpu.memory_space<vmem>>, vector<16xf32>,
    tpu.vector_store %arg5[%swap3A_452, %swap3A_453], %broadcast_in_dim3A_450 {strides = array<i32>} : memref<152x16xf32, #tpu.memory_space<vmem>>, vector<16xf32>,
    %broadcast_in_dim3A_455 = arith.constant 0.000000e+00 : f32
    %broadcast_in_dim3A_456 = vector.broadcast %broadcast_in_dim3A_455 : f32 to vector<16xf32>
    %swap3A_457 = arith.constant 76 : i32
    %swap3A_458 = arith.index_cast %swap3A_457 : i32 to index
    %swap3A_459 = arith.constant 0 : index
    %swap3A_460 = tpu.vector_load %arg5[%swap3A_458, %swap3A_459] {strides = array<i32>} : memref<152x16xf32, #tpu.memory_space<vmem>>, vector<16xf32>,
    tpu.vector_store %arg5[%swap3A_458, %swap3A_459], %broadcast_in_dim3A_456 {strides = array<i32>} : memref<152x16xf32, #tpu.memory_space<vmem>>, vector<16xf32>,
    %broadcast_in_dim3A_461 = arith.constant 0.000000e+00 : f32
    %broadcast_in_dim3A_462 = vector.broadcast %broadcast_in_dim3A_461 : f32 to vector<16xf32>
    %swap3A_463 = arith.constant 77 : i32
    %swap3A_464 = arith.index_cast %swap3A_463 : i32 to index
    %swap3A_465 = arith.constant 0 : index
    %swap3A_466 = tpu.vector_load %arg5[%swap3A_464, %swap3A_465] {strides = array<i32>} : memref<152x16xf32, #tpu.memory_space<vmem>>, vector<16xf32>,
    tpu.vector_store %arg5[%swap3A_464, %swap3A_465], %broadcast_in_dim3A_462 {strides = array<i32>} : memref<152x16xf32, #tpu.memory_space<vmem>>, vector<16xf32>,
    %broadcast_in_dim3A_467 = arith.constant 0.000000e+00 : f32
    %broadcast_in_dim3A_468 = vector.broadcast %broadcast_in_dim3A_467 : f32 to vector<16xf32>
    %swap3A_469 = arith.constant 78 : i32
    %swap3A_470 = arith.index_cast %swap3A_469 : i32 to index
    %swap3A_471 = arith.constant 0 : index
    %swap3A_472 = tpu.vector_load %arg5[%swap3A_470, %swap3A_471] {strides = array<i32>} : memref<152x16xf32, #tpu.memory_space<vmem>>, vector<16xf32>,
    tpu.vector_store %arg5[%swap3A_470, %swap3A_471], %broadcast_in_dim3A_468 {strides = array<i32>} : memref<152x16xf32, #tpu.memory_space<vmem>>, vector<16xf32>,
    %broadcast_in_dim3A_473 = arith.constant 0.000000e+00 : f32
    %broadcast_in_dim3A_474 = vector.broadcast %broadcast_in_dim3A_473 : f32 to vector<16xf32>
    %swap3A_475 = arith.constant 79 : i32
    %swap3A_476 = arith.index_cast %swap3A_475 : i32 to index
    %swap3A_477 = arith.constant 0 : index
    %swap3A_478 = tpu.vector_load %arg5[%swap3A_476, %swap3A_477] {strides = array<i32>} : memref<152x16xf32, #tpu.memory_space<vmem>>, vector<16xf32>,
    tpu.vector_store %arg5[%swap3A_476, %swap3A_477], %broadcast_in_dim3A_474 {strides = array<i32>} : memref<152x16xf32, #tpu.memory_space<vmem>>, vector<16xf32>,
    %broadcast_in_dim3A_479 = arith.constant 0.000000e+00 : f32
    %broadcast_in_dim3A_480 = vector.broadcast %broadcast_in_dim3A_479 : f32 to vector<16xf32>
    %swap3A_481 = arith.constant 80 : i32
    %swap3A_482 = arith.index_cast %swap3A_481 : i32 to index
    %swap3A_483 = arith.constant 0 : index
    %swap3A_484 = tpu.vector_load %arg5[%swap3A_482, %swap3A_483] {strides = array<i32>} : memref<152x16xf32, #tpu.memory_space<vmem>>, vector<16xf32>,
    tpu.vector_store %arg5[%swap3A_482, %swap3A_483], %broadcast_in_dim3A_480 {strides = array<i32>} : memref<152x16xf32, #tpu.memory_space<vmem>>, vector<16xf32>,
    %broadcast_in_dim3A_485 = arith.constant 0.000000e+00 : f32
    %broadcast_in_dim3A_486 = vector.broadcast %broadcast_in_dim3A_485 : f32 to vector<16xf32>
    %swap3A_487 = arith.constant 81 : i32
    %swap3A_488 = arith.index_cast %swap3A_487 : i32 to index
    %swap3A_489 = arith.constant 0 : index
    %swap3A_490 = tpu.vector_load %arg5[%swap3A_488, %swap3A_489] {strides = array<i32>} : memref<152x16xf32, #tpu.memory_space<vmem>>, vector<16xf32>,
    tpu.vector_store %arg5[%swap3A_488, %swap3A_489], %broadcast_in_dim3A_486 {strides = array<i32>} : memref<152x16xf32, #tpu.memory_space<vmem>>, vector<16xf32>,
    %broadcast_in_dim3A_491 = arith.constant 0.000000e+00 : f32
    %broadcast_in_dim3A_492 = vector.broadcast %broadcast_in_dim3A_491 : f32 to vector<16xf32>
    %swap3A_493 = arith.constant 82 : i32
    %swap3A_494 = arith.index_cast %swap3A_493 : i32 to index
    %swap3A_495 = arith.constant 0 : index
    %swap3A_496 = tpu.vector_load %arg5[%swap3A_494, %swap3A_495] {strides = array<i32>} : memref<152x16xf32, #tpu.memory_space<vmem>>, vector<16xf32>,
    tpu.vector_store %arg5[%swap3A_494, %swap3A_495], %broadcast_in_dim3A_492 {strides = array<i32>} : memref<152x16xf32, #tpu.memory_space<vmem>>, vector<16xf32>,
    %broadcast_in_dim3A_497 = arith.constant 0.000000e+00 : f32
    %broadcast_in_dim3A_498 = vector.broadcast %broadcast_in_dim3A_497 : f32 to vector<16xf32>
    %swap3A_499 = arith.constant 83 : i32
    %swap3A_500 = arith.index_cast %swap3A_499 : i32 to index
    %swap3A_501 = arith.constant 0 : index
    %swap3A_502 = tpu.vector_load %arg5[%swap3A_500, %swap3A_501] {strides = array<i32>} : memref<152x16xf32, #tpu.memory_space<vmem>>, vector<16xf32>,
    tpu.vector_store %arg5[%swap3A_500, %swap3A_501], %broadcast_in_dim3A_498 {strides = array<i32>} : memref<152x16xf32, #tpu.memory_space<vmem>>, vector<16xf32>,
    %broadcast_in_dim3A_503 = arith.constant 0.000000e+00 : f32
    %broadcast_in_dim3A_504 = vector.broadcast %broadcast_in_dim3A_503 : f32 to vector<16xf32>
    %swap3A_505 = arith.constant 84 : i32
    %swap3A_506 = arith.index_cast %swap3A_505 : i32 to index
    %swap3A_507 = arith.constant 0 : index
    %swap3A_508 = tpu.vector_load %arg5[%swap3A_506, %swap3A_507] {strides = array<i32>} : memref<152x16xf32, #tpu.memory_space<vmem>>, vector<16xf32>,
    tpu.vector_store %arg5[%swap3A_506, %swap3A_507], %broadcast_in_dim3A_504 {strides = array<i32>} : memref<152x16xf32, #tpu.memory_space<vmem>>, vector<16xf32>,
    %broadcast_in_dim3A_509 = arith.constant 0.000000e+00 : f32
    %broadcast_in_dim3A_510 = vector.broadcast %broadcast_in_dim3A_509 : f32 to vector<16xf32>
    %swap3A_511 = arith.constant 85 : i32
    %swap3A_512 = arith.index_cast %swap3A_511 : i32 to index
    %swap3A_513 = arith.constant 0 : index
    %swap3A_514 = tpu.vector_load %arg5[%swap3A_512, %swap3A_513] {strides = array<i32>} : memref<152x16xf32, #tpu.memory_space<vmem>>, vector<16xf32>,
    tpu.vector_store %arg5[%swap3A_512, %swap3A_513], %broadcast_in_dim3A_510 {strides = array<i32>} : memref<152x16xf32, #tpu.memory_space<vmem>>, vector<16xf32>,
    %broadcast_in_dim3A_515 = arith.constant 0.000000e+00 : f32
    %broadcast_in_dim3A_516 = vector.broadcast %broadcast_in_dim3A_515 : f32 to vector<16xf32>
    %swap3A_517 = arith.constant 86 : i32
    %swap3A_518 = arith.index_cast %swap3A_517 : i32 to index
    %swap3A_519 = arith.constant 0 : index
    %swap3A_520 = tpu.vector_load %arg5[%swap3A_518, %swap3A_519] {strides = array<i32>} : memref<152x16xf32, #tpu.memory_space<vmem>>, vector<16xf32>,
    tpu.vector_store %arg5[%swap3A_518, %swap3A_519], %broadcast_in_dim3A_516 {strides = array<i32>} : memref<152x16xf32, #tpu.memory_space<vmem>>, vector<16xf32>,
    %broadcast_in_dim3A_521 = arith.constant 0.000000e+00 : f32
    %broadcast_in_dim3A_522 = vector.broadcast %broadcast_in_dim3A_521 : f32 to vector<16xf32>
    %swap3A_523 = arith.constant 87 : i32
    %swap3A_524 = arith.index_cast %swap3A_523 : i32 to index
    %swap3A_525 = arith.constant 0 : index
    %swap3A_526 = tpu.vector_load %arg5[%swap3A_524, %swap3A_525] {strides = array<i32>} : memref<152x16xf32, #tpu.memory_space<vmem>>, vector<16xf32>,
    tpu.vector_store %arg5[%swap3A_524, %swap3A_525], %broadcast_in_dim3A_522 {strides = array<i32>} : memref<152x16xf32, #tpu.memory_space<vmem>>, vector<16xf32>,
    %broadcast_in_dim3A_527 = arith.constant 0.000000e+00 : f32
    %broadcast_in_dim3A_528 = vector.broadcast %broadcast_in_dim3A_527 : f32 to vector<16xf32>
    %swap3A_529 = arith.constant 88 : i32
    %swap3A_530 = arith.index_cast %swap3A_529 : i32 to index
    %swap3A_531 = arith.constant 0 : index
    %swap3A_532 = tpu.vector_load %arg5[%swap3A_530, %swap3A_531] {strides = array<i32>} : memref<152x16xf32, #tpu.memory_space<vmem>>, vector<16xf32>,
    tpu.vector_store %arg5[%swap3A_530, %swap3A_531], %broadcast_in_dim3A_528 {strides = array<i32>} : memref<152x16xf32, #tpu.memory_space<vmem>>, vector<16xf32>,
    %broadcast_in_dim3A_533 = arith.constant 0.000000e+00 : f32
    %broadcast_in_dim3A_534 = vector.broadcast %broadcast_in_dim3A_533 : f32 to vector<16xf32>
    %swap3A_535 = arith.constant 89 : i32
    %swap3A_536 = arith.index_cast %swap3A_535 : i32 to index
    %swap3A_537 = arith.constant 0 : index
    %swap3A_538 = tpu.vector_load %arg5[%swap3A_536, %swap3A_537] {strides = array<i32>} : memref<152x16xf32, #tpu.memory_space<vmem>>, vector<16xf32>,
    tpu.vector_store %arg5[%swap3A_536, %swap3A_537], %broadcast_in_dim3A_534 {strides = array<i32>} : memref<152x16xf32, #tpu.memory_space<vmem>>, vector<16xf32>,
    %broadcast_in_dim3A_539 = arith.constant 0.000000e+00 : f32
    %broadcast_in_dim3A_540 = vector.broadcast %broadcast_in_dim3A_539 : f32 to vector<16xf32>
    %swap3A_541 = arith.constant 90 : i32
    %swap3A_542 = arith.index_cast %swap3A_541 : i32 to index
    %swap3A_543 = arith.constant 0 : index
    %swap3A_544 = tpu.vector_load %arg5[%swap3A_542, %swap3A_543] {strides = array<i32>} : memref<152x16xf32, #tpu.memory_space<vmem>>, vector<16xf32>,
    tpu.vector_store %arg5[%swap3A_542, %swap3A_543], %broadcast_in_dim3A_540 {strides = array<i32>} : memref<152x16xf32, #tpu.memory_space<vmem>>, vector<16xf32>,
    %broadcast_in_dim3A_545 = arith.constant 0.000000e+00 : f32
    %broadcast_in_dim3A_546 = vector.broadcast %broadcast_in_dim3A_545 : f32 to vector<16xf32>
    %swap3A_547 = arith.constant 91 : i32
    %swap3A_548 = arith.index_cast %swap3A_547 : i32 to index
    %swap3A_549 = arith.constant 0 : index
    %swap3A_550 = tpu.vector_load %arg5[%swap3A_548, %swap3A_549] {strides = array<i32>} : memref<152x16xf32, #tpu.memory_space<vmem>>, vector<16xf32>,
    tpu.vector_store %arg5[%swap3A_548, %swap3A_549], %broadcast_in_dim3A_546 {strides = array<i32>} : memref<152x16xf32, #tpu.memory_space<vmem>>, vector<16xf32>,
    %broadcast_in_dim3A_551 = arith.constant 0.000000e+00 : f32
    %broadcast_in_dim3A_552 = vector.broadcast %broadcast_in_dim3A_551 : f32 to vector<16xf32>
    %swap3A_553 = arith.constant 92 : i32
    %swap3A_554 = arith.index_cast %swap3A_553 : i32 to index
    %swap3A_555 = arith.constant 0 : index
    %swap3A_556 = tpu.vector_load %arg5[%swap3A_554, %swap3A_555] {strides = array<i32>} : memref<152x16xf32, #tpu.memory_space<vmem>>, vector<16xf32>,
    tpu.vector_store %arg5[%swap3A_554, %swap3A_555], %broadcast_in_dim3A_552 {strides = array<i32>} : memref<152x16xf32, #tpu.memory_space<vmem>>, vector<16xf32>,
    %broadcast_in_dim3A_557 = arith.constant 0.000000e+00 : f32
    %broadcast_in_dim3A_558 = vector.broadcast %broadcast_in_dim3A_557 : f32 to vector<16xf32>
    %swap3A_559 = arith.constant 93 : i32
    %swap3A_560 = arith.index_cast %swap3A_559 : i32 to index
    %swap3A_561 = arith.constant 0 : index
    %swap3A_562 = tpu.vector_load %arg5[%swap3A_560, %swap3A_561] {strides = array<i32>} : memref<152x16xf32, #tpu.memory_space<vmem>>, vector<16xf32>,
    tpu.vector_store %arg5[%swap3A_560, %swap3A_561], %broadcast_in_dim3A_558 {strides = array<i32>} : memref<152x16xf32, #tpu.memory_space<vmem>>, vector<16xf32>,
    %broadcast_in_dim3A_563 = arith.constant 0.000000e+00 : f32
    %broadcast_in_dim3A_564 = vector.broadcast %broadcast_in_dim3A_563 : f32 to vector<16xf32>
    %swap3A_565 = arith.constant 94 : i32
    %swap3A_566 = arith.index_cast %swap3A_565 : i32 to index
    %swap3A_567 = arith.constant 0 : index
    %swap3A_568 = tpu.vector_load %arg5[%swap3A_566, %swap3A_567] {strides = array<i32>} : memref<152x16xf32, #tpu.memory_space<vmem>>, vector<16xf32>,
    tpu.vector_store %arg5[%swap3A_566, %swap3A_567], %broadcast_in_dim3A_564 {strides = array<i32>} : memref<152x16xf32, #tpu.memory_space<vmem>>, vector<16xf32>,
    %broadcast_in_dim3A_569 = arith.constant 0.000000e+00 : f32
    %broadcast_in_dim3A_570 = vector.broadcast %broadcast_in_dim3A_569 : f32 to vector<16xf32>
    %swap3A_571 = arith.constant 95 : i32
    %swap3A_572 = arith.index_cast %swap3A_571 : i32 to index
    %swap3A_573 = arith.constant 0 : index
    %swap3A_574 = tpu.vector_load %arg5[%swap3A_572, %swap3A_573] {strides = array<i32>} : memref<152x16xf32, #tpu.memory_space<vmem>>, vector<16xf32>,
    tpu.vector_store %arg5[%swap3A_572, %swap3A_573], %broadcast_in_dim3A_570 {strides = array<i32>} : memref<152x16xf32, #tpu.memory_space<vmem>>, vector<16xf32>,
    %broadcast_in_dim3A_575 = arith.constant 0.000000e+00 : f32
    %broadcast_in_dim3A_576 = vector.broadcast %broadcast_in_dim3A_575 : f32 to vector<16xf32>
    %swap3A_577 = arith.constant 96 : i32
    %swap3A_578 = arith.index_cast %swap3A_577 : i32 to index
    %swap3A_579 = arith.constant 0 : index
    %swap3A_580 = tpu.vector_load %arg5[%swap3A_578, %swap3A_579] {strides = array<i32>} : memref<152x16xf32, #tpu.memory_space<vmem>>, vector<16xf32>,
    tpu.vector_store %arg5[%swap3A_578, %swap3A_579], %broadcast_in_dim3A_576 {strides = array<i32>} : memref<152x16xf32, #tpu.memory_space<vmem>>, vector<16xf32>,
    %broadcast_in_dim3A_581 = arith.constant 0.000000e+00 : f32
    %broadcast_in_dim3A_582 = vector.broadcast %broadcast_in_dim3A_581 : f32 to vector<16xf32>
    %swap3A_583 = arith.constant 97 : i32
    %swap3A_584 = arith.index_cast %swap3A_583 : i32 to index
    %swap3A_585 = arith.constant 0 : index
    %swap3A_586 = tpu.vector_load %arg5[%swap3A_584, %swap3A_585] {strides = array<i32>} : memref<152x16xf32, #tpu.memory_space<vmem>>, vector<16xf32>,
    tpu.vector_store %arg5[%swap3A_584, %swap3A_585], %broadcast_in_dim3A_582 {strides = array<i32>} : memref<152x16xf32, #tpu.memory_space<vmem>>, vector<16xf32>,
    %broadcast_in_dim3A_587 = arith.constant 0.000000e+00 : f32
    %broadcast_in_dim3A_588 = vector.broadcast %broadcast_in_dim3A_587 : f32 to vector<16xf32>
    %swap3A_589 = arith.constant 98 : i32
    %swap3A_590 = arith.index_cast %swap3A_589 : i32 to index
    %swap3A_591 = arith.constant 0 : index
    %swap3A_592 = tpu.vector_load %arg5[%swap3A_590, %swap3A_591] {strides = array<i32>} : memref<152x16xf32, #tpu.memory_space<vmem>>, vector<16xf32>,
    tpu.vector_store %arg5[%swap3A_590, %swap3A_591], %broadcast_in_dim3A_588 {strides = array<i32>} : memref<152x16xf32, #tpu.memory_space<vmem>>, vector<16xf32>,
    %broadcast_in_dim3A_593 = arith.constant 0.000000e+00 : f32
    %broadcast_in_dim3A_594 = vector.broadcast %broadcast_in_dim3A_593 : f32 to vector<16xf32>
    %swap3A_595 = arith.constant 99 : i32
    %swap3A_596 = arith.index_cast %swap3A_595 : i32 to index
    %swap3A_597 = arith.constant 0 : index
    %swap3A_598 = tpu.vector_load %arg5[%swap3A_596, %swap3A_597] {strides = array<i32>} : memref<152x16xf32, #tpu.memory_space<vmem>>, vector<16xf32>,
    tpu.vector_store %arg5[%swap3A_596, %swap3A_597], %broadcast_in_dim3A_594 {strides = array<i32>} : memref<152x16xf32, #tpu.memory_space<vmem>>, vector<16xf32>,
    %broadcast_in_dim3A_599 = arith.constant 0.000000e+00 : f32
    %broadcast_in_dim3A_600 = vector.broadcast %broadcast_in_dim3A_599 : f32 to vector<16xf32>
    %swap3A_601 = arith.constant 100 : i32
    %swap3A_602 = arith.index_cast %swap3A_601 : i32 to index
    %swap3A_603 = arith.constant 0 : index
    %swap3A_604 = tpu.vector_load %arg5[%swap3A_602, %swap3A_603] {strides = array<i32>} : memref<152x16xf32, #tpu.memory_space<vmem>>, vector<16xf32>,
    tpu.vector_store %arg5[%swap3A_602, %swap3A_603], %broadcast_in_dim3A_600 {strides = array<i32>} : memref<152x16xf32, #tpu.memory_space<vmem>>, vector<16xf32>,
    %broadcast_in_dim3A_605 = arith.constant 0.000000e+00 : f32
    %broadcast_in_dim3A_606 = vector.broadcast %broadcast_in_dim3A_605 : f32 to vector<16xf32>
    %swap3A_607 = arith.constant 101 : i32
    %swap3A_608 = arith.index_cast %swap3A_607 : i32 to index
    %swap3A_609 = arith.constant 0 : index
    %swap3A_610 = tpu.vector_load %arg5[%swap3A_608, %swap3A_609] {strides = array<i32>} : memref<152x16xf32, #tpu.memory_space<vmem>>, vector<16xf32>,
    tpu.vector_store %arg5[%swap3A_608, %swap3A_609], %broadcast_in_dim3A_606 {strides = array<i32>} : memref<152x16xf32, #tpu.memory_space<vmem>>, vector<16xf32>,
    %broadcast_in_dim3A_611 = arith.constant 0.000000e+00 : f32
    %broadcast_in_dim3A_612 = vector.broadcast %broadcast_in_dim3A_611 : f32 to vector<16xf32>
    %swap3A_613 = arith.constant 102 : i32
    %swap3A_614 = arith.index_cast %swap3A_613 : i32 to index
    %swap3A_615 = arith.constant 0 : index
    %swap3A_616 = tpu.vector_load %arg5[%swap3A_614, %swap3A_615] {strides = array<i32>} : memref<152x16xf32, #tpu.memory_space<vmem>>, vector<16xf32>,
    tpu.vector_store %arg5[%swap3A_614, %swap3A_615], %broadcast_in_dim3A_612 {strides = array<i32>} : memref<152x16xf32, #tpu.memory_space<vmem>>, vector<16xf32>,
    %broadcast_in_dim3A_617 = arith.constant 0.000000e+00 : f32
    %broadcast_in_dim3A_618 = vector.broadcast %broadcast_in_dim3A_617 : f32 to vector<16xf32>
    %swap3A_619 = arith.constant 103 : i32
    %swap3A_620 = arith.index_cast %swap3A_619 : i32 to index
    %swap3A_621 = arith.constant 0 : index
    %swap3A_622 = tpu.vector_load %arg5[%swap3A_620, %swap3A_621] {strides = array<i32>} : memref<152x16xf32, #tpu.memory_space<vmem>>, vector<16xf32>,
    tpu.vector_store %arg5[%swap3A_620, %swap3A_621], %broadcast_in_dim3A_618 {strides = array<i32>} : memref<152x16xf32, #tpu.memory_space<vmem>>, vector<16xf32>,
    %broadcast_in_dim3A_623 = arith.constant 0.000000e+00 : f32
    %broadcast_in_dim3A_624 = vector.broadcast %broadcast_in_dim3A_623 : f32 to vector<16xf32>
    %swap3A_625 = arith.constant 104 : i32
    %swap3A_626 = arith.index_cast %swap3A_625 : i32 to index
    %swap3A_627 = arith.constant 0 : index
    %swap3A_628 = tpu.vector_load %arg5[%swap3A_626, %swap3A_627] {strides = array<i32>} : memref<152x16xf32, #tpu.memory_space<vmem>>, vector<16xf32>,
    tpu.vector_store %arg5[%swap3A_626, %swap3A_627], %broadcast_in_dim3A_624 {strides = array<i32>} : memref<152x16xf32, #tpu.memory_space<vmem>>, vector<16xf32>,
    %broadcast_in_dim3A_629 = arith.constant 0.000000e+00 : f32
    %broadcast_in_dim3A_630 = vector.broadcast %broadcast_in_dim3A_629 : f32 to vector<16xf32>
    %swap3A_631 = arith.constant 105 : i32
    %swap3A_632 = arith.index_cast %swap3A_631 : i32 to index
    %swap3A_633 = arith.constant 0 : index
    %swap3A_634 = tpu.vector_load %arg5[%swap3A_632, %swap3A_633] {strides = array<i32>} : memref<152x16xf32, #tpu.memory_space<vmem>>, vector<16xf32>,
    tpu.vector_store %arg5[%swap3A_632, %swap3A_633], %broadcast_in_dim3A_630 {strides = array<i32>} : memref<152x16xf32, #tpu.memory_space<vmem>>, vector<16xf32>,
    %broadcast_in_dim3A_635 = arith.constant 0.000000e+00 : f32
    %broadcast_in_dim3A_636 = vector.broadcast %broadcast_in_dim3A_635 : f32 to vector<16xf32>
    %swap3A_637 = arith.constant 106 : i32
    %swap3A_638 = arith.index_cast %swap3A_637 : i32 to index
    %swap3A_639 = arith.constant 0 : index
    %swap3A_640 = tpu.vector_load %arg5[%swap3A_638, %swap3A_639] {strides = array<i32>} : memref<152x16xf32, #tpu.memory_space<vmem>>, vector<16xf32>,
    tpu.vector_store %arg5[%swap3A_638, %swap3A_639], %broadcast_in_dim3A_636 {strides = array<i32>} : memref<152x16xf32, #tpu.memory_space<vmem>>, vector<16xf32>,
    %broadcast_in_dim3A_641 = arith.constant 0.000000e+00 : f32
    %broadcast_in_dim3A_642 = vector.broadcast %broadcast_in_dim3A_641 : f32 to vector<16xf32>
    %swap3A_643 = arith.constant 107 : i32
    %swap3A_644 = arith.index_cast %swap3A_643 : i32 to index
    %swap3A_645 = arith.constant 0 : index
    %swap3A_646 = tpu.vector_load %arg5[%swap3A_644, %swap3A_645] {strides = array<i32>} : memref<152x16xf32, #tpu.memory_space<vmem>>, vector<16xf32>,
    tpu.vector_store %arg5[%swap3A_644, %swap3A_645], %broadcast_in_dim3A_642 {strides = array<i32>} : memref<152x16xf32, #tpu.memory_space<vmem>>, vector<16xf32>,
    %broadcast_in_dim3A_647 = arith.constant 0.000000e+00 : f32
    %broadcast_in_dim3A_648 = vector.broadcast %broadcast_in_dim3A_647 : f32 to vector<16xf32>
    %swap3A_649 = arith.constant 108 : i32
    %swap3A_650 = arith.index_cast %swap3A_649 : i32 to index
    %swap3A_651 = arith.constant 0 : index
    %swap3A_652 = tpu.vector_load %arg5[%swap3A_650, %swap3A_651] {strides = array<i32>} : memref<152x16xf32, #tpu.memory_space<vmem>>, vector<16xf32>,
    tpu.vector_store %arg5[%swap3A_650, %swap3A_651], %broadcast_in_dim3A_648 {strides = array<i32>} : memref<152x16xf32, #tpu.memory_space<vmem>>, vector<16xf32>,
    %broadcast_in_dim3A_653 = arith.constant 0.000000e+00 : f32
    %broadcast_in_dim3A_654 = vector.broadcast %broadcast_in_dim3A_653 : f32 to vector<16xf32>
    %swap3A_655 = arith.constant 109 : i32
    %swap3A_656 = arith.index_cast %swap3A_655 : i32 to index
    %swap3A_657 = arith.constant 0 : index
    %swap3A_658 = tpu.vector_load %arg5[%swap3A_656, %swap3A_657] {strides = array<i32>} : memref<152x16xf32, #tpu.memory_space<vmem>>, vector<16xf32>,
    tpu.vector_store %arg5[%swap3A_656, %swap3A_657], %broadcast_in_dim3A_654 {strides = array<i32>} : memref<152x16xf32, #tpu.memory_space<vmem>>, vector<16xf32>,
    %broadcast_in_dim3A_659 = arith.constant 0.000000e+00 : f32
    %broadcast_in_dim3A_660 = vector.broadcast %broadcast_in_dim3A_659 : f32 to vector<16xf32>
    %swap3A_661 = arith.constant 110 : i32
    %swap3A_662 = arith.index_cast %swap3A_661 : i32 to index
    %swap3A_663 = arith.constant 0 : index
    %swap3A_664 = tpu.vector_load %arg5[%swap3A_662, %swap3A_663] {strides = array<i32>} : memref<152x16xf32, #tpu.memory_space<vmem>>, vector<16xf32>,
    tpu.vector_store %arg5[%swap3A_662, %swap3A_663], %broadcast_in_dim3A_660 {strides = array<i32>} : memref<152x16xf32, #tpu.memory_space<vmem>>, vector<16xf32>,
    %broadcast_in_dim3A_665 = arith.constant 0.000000e+00 : f32
    %broadcast_in_dim3A_666 = vector.broadcast %broadcast_in_dim3A_665 : f32 to vector<16xf32>
    %swap3A_667 = arith.constant 111 : i32
    %swap3A_668 = arith.index_cast %swap3A_667 : i32 to index
    %swap3A_669 = arith.constant 0 : index
    %swap3A_670 = tpu.vector_load %arg5[%swap3A_668, %swap3A_669] {strides = array<i32>} : memref<152x16xf32, #tpu.memory_space<vmem>>, vector<16xf32>,
    tpu.vector_store %arg5[%swap3A_668, %swap3A_669], %broadcast_in_dim3A_666 {strides = array<i32>} : memref<152x16xf32, #tpu.memory_space<vmem>>, vector<16xf32>,
    %broadcast_in_dim3A_671 = arith.constant 0.000000e+00 : f32
    %broadcast_in_dim3A_672 = vector.broadcast %broadcast_in_dim3A_671 : f32 to vector<16xf32>
    %swap3A_673 = arith.constant 112 : i32
    %swap3A_674 = arith.index_cast %swap3A_673 : i32 to index
    %swap3A_675 = arith.constant 0 : index
    %swap3A_676 = tpu.vector_load %arg5[%swap3A_674, %swap3A_675] {strides = array<i32>} : memref<152x16xf32, #tpu.memory_space<vmem>>, vector<16xf32>,
    tpu.vector_store %arg5[%swap3A_674, %swap3A_675], %broadcast_in_dim3A_672 {strides = array<i32>} : memref<152x16xf32, #tpu.memory_space<vmem>>, vector<16xf32>,
    %broadcast_in_dim3A_677 = arith.constant 0.000000e+00 : f32
    %broadcast_in_dim3A_678 = vector.broadcast %broadcast_in_dim3A_677 : f32 to vector<16xf32>
    %swap3A_679 = arith.constant 113 : i32
    %swap3A_680 = arith.index_cast %swap3A_679 : i32 to index
    %swap3A_681 = arith.constant 0 : index
    %swap3A_682 = tpu.vector_load %arg5[%swap3A_680, %swap3A_681] {strides = array<i32>} : memref<152x16xf32, #tpu.memory_space<vmem>>, vector<16xf32>,
    tpu.vector_store %arg5[%swap3A_680, %swap3A_681], %broadcast_in_dim3A_678 {strides = array<i32>} : memref<152x16xf32, #tpu.memory_space<vmem>>, vector<16xf32>,
    %broadcast_in_dim3A_683 = arith.constant 0.000000e+00 : f32
    %broadcast_in_dim3A_684 = vector.broadcast %broadcast_in_dim3A_683 : f32 to vector<16xf32>
    %swap3A_685 = arith.constant 114 : i32
    %swap3A_686 = arith.index_cast %swap3A_685 : i32 to index
    %swap3A_687 = arith.constant 0 : index
    %swap3A_688 = tpu.vector_load %arg5[%swap3A_686, %swap3A_687] {strides = array<i32>} : memref<152x16xf32, #tpu.memory_space<vmem>>, vector<16xf32>,
    tpu.vector_store %arg5[%swap3A_686, %swap3A_687], %broadcast_in_dim3A_684 {strides = array<i32>} : memref<152x16xf32, #tpu.memory_space<vmem>>, vector<16xf32>,
    %broadcast_in_dim3A_689 = arith.constant 0.000000e+00 : f32
    %broadcast_in_dim3A_690 = vector.broadcast %broadcast_in_dim3A_689 : f32 to vector<16xf32>
    %swap3A_691 = arith.constant 115 : i32
    %swap3A_692 = arith.index_cast %swap3A_691 : i32 to index
    %swap3A_693 = arith.constant 0 : index
    %swap3A_694 = tpu.vector_load %arg5[%swap3A_692, %swap3A_693] {strides = array<i32>} : memref<152x16xf32, #tpu.memory_space<vmem>>, vector<16xf32>,
    tpu.vector_store %arg5[%swap3A_692, %swap3A_693], %broadcast_in_dim3A_690 {strides = array<i32>} : memref<152x16xf32, #tpu.memory_space<vmem>>, vector<16xf32>,
    %broadcast_in_dim3A_695 = arith.constant 0.000000e+00 : f32
    %broadcast_in_dim3A_696 = vector.broadcast %broadcast_in_dim3A_695 : f32 to vector<16xf32>
    %swap3A_697 = arith.constant 116 : i32
    %swap3A_698 = arith.index_cast %swap3A_697 : i32 to index
    %swap3A_699 = arith.constant 0 : index
    %swap3A_700 = tpu.vector_load %arg5[%swap3A_698, %swap3A_699] {strides = array<i32>} : memref<152x16xf32, #tpu.memory_space<vmem>>, vector<16xf32>,
    tpu.vector_store %arg5[%swap3A_698, %swap3A_699], %broadcast_in_dim3A_696 {strides = array<i32>} : memref<152x16xf32, #tpu.memory_space<vmem>>, vector<16xf32>,
    %broadcast_in_dim3A_701 = arith.constant 0.000000e+00 : f32
    %broadcast_in_dim3A_702 = vector.broadcast %broadcast_in_dim3A_701 : f32 to vector<16xf32>
    %swap3A_703 = arith.constant 117 : i32
    %swap3A_704 = arith.index_cast %swap3A_703 : i32 to index
    %swap3A_705 = arith.constant 0 : index
    %swap3A_706 = tpu.vector_load %arg5[%swap3A_704, %swap3A_705] {strides = array<i32>} : memref<152x16xf32, #tpu.memory_space<vmem>>, vector<16xf32>,
    tpu.vector_store %arg5[%swap3A_704, %swap3A_705], %broadcast_in_dim3A_702 {strides = array<i32>} : memref<152x16xf32, #tpu.memory_space<vmem>>, vector<16xf32>,
    %broadcast_in_dim3A_707 = arith.constant 0.000000e+00 : f32
    %broadcast_in_dim3A_708 = vector.broadcast %broadcast_in_dim3A_707 : f32 to vector<16xf32>
    %swap3A_709 = arith.constant 118 : i32
    %swap3A_710 = arith.index_cast %swap3A_709 : i32 to index
    %swap3A_711 = arith.constant 0 : index
    %swap3A_712 = tpu.vector_load %arg5[%swap3A_710, %swap3A_711] {strides = array<i32>} : memref<152x16xf32, #tpu.memory_space<vmem>>, vector<16xf32>,
    tpu.vector_store %arg5[%swap3A_710, %swap3A_711], %broadcast_in_dim3A_708 {strides = array<i32>} : memref<152x16xf32, #tpu.memory_space<vmem>>, vector<16xf32>,
    %broadcast_in_dim3A_713 = arith.constant 0.000000e+00 : f32
    %broadcast_in_dim3A_714 = vector.broadcast %broadcast_in_dim3A_713 : f32 to vector<16xf32>
    %swap3A_715 = arith.constant 119 : i32
    %swap3A_716 = arith.index_cast %swap3A_715 : i32 to index
    %swap3A_717 = arith.constant 0 : index
    %swap3A_718 = tpu.vector_load %arg5[%swap3A_716, %swap3A_717] {strides = array<i32>} : memref<152x16xf32, #tpu.memory_space<vmem>>, vector<16xf32>,
    tpu.vector_store %arg5[%swap3A_716, %swap3A_717], %broadcast_in_dim3A_714 {strides = array<i32>} : memref<152x16xf32, #tpu.memory_space<vmem>>, vector<16xf32>,
    %broadcast_in_dim3A_719 = arith.constant 0.000000e+00 : f32
    %broadcast_in_dim3A_720 = vector.broadcast %broadcast_in_dim3A_719 : f32 to vector<16xf32>
    %swap3A_721 = arith.constant 120 : i32
    %swap3A_722 = arith.index_cast %swap3A_721 : i32 to index
    %swap3A_723 = arith.constant 0 : index
    %swap3A_724 = tpu.vector_load %arg5[%swap3A_722, %swap3A_723] {strides = array<i32>} : memref<152x16xf32, #tpu.memory_space<vmem>>, vector<16xf32>,
    tpu.vector_store %arg5[%swap3A_722, %swap3A_723], %broadcast_in_dim3A_720 {strides = array<i32>} : memref<152x16xf32, #tpu.memory_space<vmem>>, vector<16xf32>,
    %broadcast_in_dim3A_725 = arith.constant 0.000000e+00 : f32
    %broadcast_in_dim3A_726 = vector.broadcast %broadcast_in_dim3A_725 : f32 to vector<16xf32>
    %swap3A_727 = arith.constant 121 : i32
    %swap3A_728 = arith.index_cast %swap3A_727 : i32 to index
    %swap3A_729 = arith.constant 0 : index
    %swap3A_730 = tpu.vector_load %arg5[%swap3A_728, %swap3A_729] {strides = array<i32>} : memref<152x16xf32, #tpu.memory_space<vmem>>, vector<16xf32>,
    tpu.vector_store %arg5[%swap3A_728, %swap3A_729], %broadcast_in_dim3A_726 {strides = array<i32>} : memref<152x16xf32, #tpu.memory_space<vmem>>, vector<16xf32>,
    %broadcast_in_dim3A_731 = arith.constant 0.000000e+00 : f32
    %broadcast_in_dim3A_732 = vector.broadcast %broadcast_in_dim3A_731 : f32 to vector<16xf32>
    %swap3A_733 = arith.constant 122 : i32
    %swap3A_734 = arith.index_cast %swap3A_733 : i32 to index
    %swap3A_735 = arith.constant 0 : index
    %swap3A_736 = tpu.vector_load %arg5[%swap3A_734, %swap3A_735] {strides = array<i32>} : memref<152x16xf32, #tpu.memory_space<vmem>>, vector<16xf32>,
    tpu.vector_store %arg5[%swap3A_734, %swap3A_735], %broadcast_in_dim3A_732 {strides = array<i32>} : memref<152x16xf32, #tpu.memory_space<vmem>>, vector<16xf32>,
    %broadcast_in_dim3A_737 = arith.constant 0.000000e+00 : f32
    %broadcast_in_dim3A_738 = vector.broadcast %broadcast_in_dim3A_737 : f32 to vector<16xf32>
    %swap3A_739 = arith.constant 123 : i32
    %swap3A_740 = arith.index_cast %swap3A_739 : i32 to index
    %swap3A_741 = arith.constant 0 : index
    %swap3A_742 = tpu.vector_load %arg5[%swap3A_740, %swap3A_741] {strides = array<i32>} : memref<152x16xf32, #tpu.memory_space<vmem>>, vector<16xf32>,
    tpu.vector_store %arg5[%swap3A_740, %swap3A_741], %broadcast_in_dim3A_738 {strides = array<i32>} : memref<152x16xf32, #tpu.memory_space<vmem>>, vector<16xf32>,
    %broadcast_in_dim3A_743 = arith.constant 0.000000e+00 : f32
    %broadcast_in_dim3A_744 = vector.broadcast %broadcast_in_dim3A_743 : f32 to vector<16xf32>
    %swap3A_745 = arith.constant 124 : i32
    %swap3A_746 = arith.index_cast %swap3A_745 : i32 to index
    %swap3A_747 = arith.constant 0 : index
    %swap3A_748 = tpu.vector_load %arg5[%swap3A_746, %swap3A_747] {strides = array<i32>} : memref<152x16xf32, #tpu.memory_space<vmem>>, vector<16xf32>,
    tpu.vector_store %arg5[%swap3A_746, %swap3A_747], %broadcast_in_dim3A_744 {strides = array<i32>} : memref<152x16xf32, #tpu.memory_space<vmem>>, vector<16xf32>,
    %broadcast_in_dim3A_749 = arith.constant 0.000000e+00 : f32
    %broadcast_in_dim3A_750 = vector.broadcast %broadcast_in_dim3A_749 : f32 to vector<16xf32>
    %swap3A_751 = arith.constant 125 : i32
    %swap3A_752 = arith.index_cast %swap3A_751 : i32 to index
    %swap3A_753 = arith.constant 0 : index
    %swap3A_754 = tpu.vector_load %arg5[%swap3A_752, %swap3A_753] {strides = array<i32>} : memref<152x16xf32, #tpu.memory_space<vmem>>, vector<16xf32>,
    tpu.vector_store %arg5[%swap3A_752, %swap3A_753], %broadcast_in_dim3A_750 {strides = array<i32>} : memref<152x16xf32, #tpu.memory_space<vmem>>, vector<16xf32>,
    %broadcast_in_dim3A_755 = arith.constant 0.000000e+00 : f32
    %broadcast_in_dim3A_756 = vector.broadcast %broadcast_in_dim3A_755 : f32 to vector<16xf32>
    %swap3A_757 = arith.constant 126 : i32
    %swap3A_758 = arith.index_cast %swap3A_757 : i32 to index
    %swap3A_759 = arith.constant 0 : index
    %swap3A_760 = tpu.vector_load %arg5[%swap3A_758, %swap3A_759] {strides = array<i32>} : memref<152x16xf32, #tpu.memory_space<vmem>>, vector<16xf32>,
    tpu.vector_store %arg5[%swap3A_758, %swap3A_759], %broadcast_in_dim3A_756 {strides = array<i32>} : memref<152x16xf32, #tpu.memory_space<vmem>>, vector<16xf32>,
    %broadcast_in_dim3A_761 = arith.constant 0.000000e+00 : f32
    %broadcast_in_dim3A_762 = vector.broadcast %broadcast_in_dim3A_761 : f32 to vector<16xf32>
    %swap3A_763 = arith.constant 127 : i32
    %swap3A_764 = arith.index_cast %swap3A_763 : i32 to index
    %swap3A_765 = arith.constant 0 : index
    %swap3A_766 = tpu.vector_load %arg5[%swap3A_764, %swap3A_765] {strides = array<i32>} : memref<152x16xf32, #tpu.memory_space<vmem>>, vector<16xf32>,
    tpu.vector_store %arg5[%swap3A_764, %swap3A_765], %broadcast_in_dim3A_762 {strides = array<i32>} : memref<152x16xf32, #tpu.memory_space<vmem>>, vector<16xf32>,
    %broadcast_in_dim3A_767 = arith.constant 0.000000e+00 : f32
    %broadcast_in_dim3A_768 = vector.broadcast %broadcast_in_dim3A_767 : f32 to vector<16xf32>
    %swap3A_769 = arith.constant 128 : i32
    %swap3A_770 = arith.index_cast %swap3A_769 : i32 to index
    %swap3A_771 = arith.constant 0 : index
    %swap3A_772 = tpu.vector_load %arg5[%swap3A_770, %swap3A_771] {strides = array<i32>} : memref<152x16xf32, #tpu.memory_space<vmem>>, vector<16xf32>,
    tpu.vector_store %arg5[%swap3A_770, %swap3A_771], %broadcast_in_dim3A_768 {strides = array<i32>} : memref<152x16xf32, #tpu.memory_space<vmem>>, vector<16xf32>,
    %broadcast_in_dim3A_773 = arith.constant 0.000000e+00 : f32
    %broadcast_in_dim3A_774 = vector.broadcast %broadcast_in_dim3A_773 : f32 to vector<16xf32>
    %swap3A_775 = arith.constant 129 : i32
    %swap3A_776 = arith.index_cast %swap3A_775 : i32 to index
    %swap3A_777 = arith.constant 0 : index
    %swap3A_778 = tpu.vector_load %arg5[%swap3A_776, %swap3A_777] {strides = array<i32>} : memref<152x16xf32, #tpu.memory_space<vmem>>, vector<16xf32>,
    tpu.vector_store %arg5[%swap3A_776, %swap3A_777], %broadcast_in_dim3A_774 {strides = array<i32>} : memref<152x16xf32, #tpu.memory_space<vmem>>, vector<16xf32>,
    %broadcast_in_dim3A_779 = arith.constant 0.000000e+00 : f32
    %broadcast_in_dim3A_780 = vector.broadcast %broadcast_in_dim3A_779 : f32 to vector<16xf32>
    %swap3A_781 = arith.constant 130 : i32
    %swap3A_782 = arith.index_cast %swap3A_781 : i32 to index
    %swap3A_783 = arith.constant 0 : index
    %swap3A_784 = tpu.vector_load %arg5[%swap3A_782, %swap3A_783] {strides = array<i32>} : memref<152x16xf32, #tpu.memory_space<vmem>>, vector<16xf32>,
    tpu.vector_store %arg5[%swap3A_782, %swap3A_783], %broadcast_in_dim3A_780 {strides = array<i32>} : memref<152x16xf32, #tpu.memory_space<vmem>>, vector<16xf32>,
    %broadcast_in_dim3A_785 = arith.constant 0.000000e+00 : f32
    %broadcast_in_dim3A_786 = vector.broadcast %broadcast_in_dim3A_785 : f32 to vector<16xf32>
    %swap3A_787 = arith.constant 131 : i32
    %swap3A_788 = arith.index_cast %swap3A_787 : i32 to index
    %swap3A_789 = arith.constant 0 : index
    %swap3A_790 = tpu.vector_load %arg5[%swap3A_788, %swap3A_789] {strides = array<i32>} : memref<152x16xf32, #tpu.memory_space<vmem>>, vector<16xf32>,
    tpu.vector_store %arg5[%swap3A_788, %swap3A_789], %broadcast_in_dim3A_786 {strides = array<i32>} : memref<152x16xf32, #tpu.memory_space<vmem>>, vector<16xf32>,
    %broadcast_in_dim3A_791 = arith.constant 0.000000e+00 : f32
    %broadcast_in_dim3A_792 = vector.broadcast %broadcast_in_dim3A_791 : f32 to vector<16xf32>
    %swap3A_793 = arith.constant 132 : i32
    %swap3A_794 = arith.index_cast %swap3A_793 : i32 to index
    %swap3A_795 = arith.constant 0 : index
    %swap3A_796 = tpu.vector_load %arg5[%swap3A_794, %swap3A_795] {strides = array<i32>} : memref<152x16xf32, #tpu.memory_space<vmem>>, vector<16xf32>,
    tpu.vector_store %arg5[%swap3A_794, %swap3A_795], %broadcast_in_dim3A_792 {strides = array<i32>} : memref<152x16xf32, #tpu.memory_space<vmem>>, vector<16xf32>,
    %broadcast_in_dim3A_797 = arith.constant 0.000000e+00 : f32
    %broadcast_in_dim3A_798 = vector.broadcast %broadcast_in_dim3A_797 : f32 to vector<16xf32>
    %swap3A_799 = arith.constant 133 : i32
    %swap3A_800 = arith.index_cast %swap3A_799 : i32 to index
    %swap3A_801 = arith.constant 0 : index
    %swap3A_802 = tpu.vector_load %arg5[%swap3A_800, %swap3A_801] {strides = array<i32>} : memref<152x16xf32, #tpu.memory_space<vmem>>, vector<16xf32>,
    tpu.vector_store %arg5[%swap3A_800, %swap3A_801], %broadcast_in_dim3A_798 {strides = array<i32>} : memref<152x16xf32, #tpu.memory_space<vmem>>, vector<16xf32>,
    %broadcast_in_dim3A_803 = arith.constant 0.000000e+00 : f32
    %broadcast_in_dim3A_804 = vector.broadcast %broadcast_in_dim3A_803 : f32 to vector<16xf32>
    %swap3A_805 = arith.constant 134 : i32
    %swap3A_806 = arith.index_cast %swap3A_805 : i32 to index
    %swap3A_807 = arith.constant 0 : index
    %swap3A_808 = tpu.vector_load %arg5[%swap3A_806, %swap3A_807] {strides = array<i32>} : memref<152x16xf32, #tpu.memory_space<vmem>>, vector<16xf32>,
    tpu.vector_store %arg5[%swap3A_806, %swap3A_807], %broadcast_in_dim3A_804 {strides = array<i32>} : memref<152x16xf32, #tpu.memory_space<vmem>>, vector<16xf32>,
    %broadcast_in_dim3A_809 = arith.constant 0.000000e+00 : f32
    %broadcast_in_dim3A_810 = vector.broadcast %broadcast_in_dim3A_809 : f32 to vector<16xf32>
    %swap3A_811 = arith.constant 135 : i32
    %swap3A_812 = arith.index_cast %swap3A_811 : i32 to index
    %swap3A_813 = arith.constant 0 : index
    %swap3A_814 = tpu.vector_load %arg5[%swap3A_812, %swap3A_813] {strides = array<i32>} : memref<152x16xf32, #tpu.memory_space<vmem>>, vector<16xf32>,
    tpu.vector_store %arg5[%swap3A_812, %swap3A_813], %broadcast_in_dim3A_810 {strides = array<i32>} : memref<152x16xf32, #tpu.memory_space<vmem>>, vector<16xf32>,
    %broadcast_in_dim3A_815 = arith.constant 0.000000e+00 : f32
    %broadcast_in_dim3A_816 = vector.broadcast %broadcast_in_dim3A_815 : f32 to vector<16xf32>
    %swap3A_817 = arith.constant 136 : i32
    %swap3A_818 = arith.index_cast %swap3A_817 : i32 to index
    %swap3A_819 = arith.constant 0 : index
    %swap3A_820 = tpu.vector_load %arg5[%swap3A_818, %swap3A_819] {strides = array<i32>} : memref<152x16xf32, #tpu.memory_space<vmem>>, vector<16xf32>,
    tpu.vector_store %arg5[%swap3A_818, %swap3A_819], %broadcast_in_dim3A_816 {strides = array<i32>} : memref<152x16xf32, #tpu.memory_space<vmem>>, vector<16xf32>,
    %broadcast_in_dim3A_821 = arith.constant 0.000000e+00 : f32
    %broadcast_in_dim3A_822 = vector.broadcast %broadcast_in_dim3A_821 : f32 to vector<16xf32>
    %swap3A_823 = arith.constant 137 : i32
    %swap3A_824 = arith.index_cast %swap3A_823 : i32 to index
    %swap3A_825 = arith.constant 0 : index
    %swap3A_826 = tpu.vector_load %arg5[%swap3A_824, %swap3A_825] {strides = array<i32>} : memref<152x16xf32, #tpu.memory_space<vmem>>, vector<16xf32>,
    tpu.vector_store %arg5[%swap3A_824, %swap3A_825], %broadcast_in_dim3A_822 {strides = array<i32>} : memref<152x16xf32, #tpu.memory_space<vmem>>, vector<16xf32>,
    %broadcast_in_dim3A_827 = arith.constant 0.000000e+00 : f32
    %broadcast_in_dim3A_828 = vector.broadcast %broadcast_in_dim3A_827 : f32 to vector<16xf32>
    %swap3A_829 = arith.constant 138 : i32
    %swap3A_830 = arith.index_cast %swap3A_829 : i32 to index
    %swap3A_831 = arith.constant 0 : index
    %swap3A_832 = tpu.vector_load %arg5[%swap3A_830, %swap3A_831] {strides = array<i32>} : memref<152x16xf32, #tpu.memory_space<vmem>>, vector<16xf32>,
    tpu.vector_store %arg5[%swap3A_830, %swap3A_831], %broadcast_in_dim3A_828 {strides = array<i32>} : memref<152x16xf32, #tpu.memory_space<vmem>>, vector<16xf32>,
    %broadcast_in_dim3A_833 = arith.constant 0.000000e+00 : f32
    %broadcast_in_dim3A_834 = vector.broadcast %broadcast_in_dim3A_833 : f32 to vector<16xf32>
    %swap3A_835 = arith.constant 139 : i32
    %swap3A_836 = arith.index_cast %swap3A_835 : i32 to index
    %swap3A_837 = arith.constant 0 : index
    %swap3A_838 = tpu.vector_load %arg5[%swap3A_836, %swap3A_837] {strides = array<i32>} : memref<152x16xf32, #tpu.memory_space<vmem>>, vector<16xf32>,
    tpu.vector_store %arg5[%swap3A_836, %swap3A_837], %broadcast_in_dim3A_834 {strides = array<i32>} : memref<152x16xf32, #tpu.memory_space<vmem>>, vector<16xf32>,
    %broadcast_in_dim3A_839 = arith.constant 0.000000e+00 : f32
    %broadcast_in_dim3A_840 = vector.broadcast %broadcast_in_dim3A_839 : f32 to vector<16xf32>
    %swap3A_841 = arith.constant 140 : i32
    %swap3A_842 = arith.index_cast %swap3A_841 : i32 to index
    %swap3A_843 = arith.constant 0 : index
    %swap3A_844 = tpu.vector_load %arg5[%swap3A_842, %swap3A_843] {strides = array<i32>} : memref<152x16xf32, #tpu.memory_space<vmem>>, vector<16xf32>,
    tpu.vector_store %arg5[%swap3A_842, %swap3A_843], %broadcast_in_dim3A_840 {strides = array<i32>} : memref<152x16xf32, #tpu.memory_space<vmem>>, vector<16xf32>,
    %broadcast_in_dim3A_845 = arith.constant 0.000000e+00 : f32
    %broadcast_in_dim3A_846 = vector.broadcast %broadcast_in_dim3A_845 : f32 to vector<16xf32>
    %swap3A_847 = arith.constant 141 : i32
    %swap3A_848 = arith.index_cast %swap3A_847 : i32 to index
    %swap3A_849 = arith.constant 0 : index
    %swap3A_850 = tpu.vector_load %arg5[%swap3A_848, %swap3A_849] {strides = array<i32>} : memref<152x16xf32, #tpu.memory_space<vmem>>, vector<16xf32>,
    tpu.vector_store %arg5[%swap3A_848, %swap3A_849], %broadcast_in_dim3A_846 {strides = array<i32>} : memref<152x16xf32, #tpu.memory_space<vmem>>, vector<16xf32>,
    %broadcast_in_dim3A_851 = arith.constant 0.000000e+00 : f32
    %broadcast_in_dim3A_852 = vector.broadcast %broadcast_in_dim3A_851 : f32 to vector<16xf32>
    %swap3A_853 = arith.constant 142 : i32
    %swap3A_854 = arith.index_cast %swap3A_853 : i32 to index
    %swap3A_855 = arith.constant 0 : index
    %swap3A_856 = tpu.vector_load %arg5[%swap3A_854, %swap3A_855] {strides = array<i32>} : memref<152x16xf32, #tpu.memory_space<vmem>>, vector<16xf32>,
    tpu.vector_store %arg5[%swap3A_854, %swap3A_855], %broadcast_in_dim3A_852 {strides = array<i32>} : memref<152x16xf32, #tpu.memory_space<vmem>>, vector<16xf32>,
    %broadcast_in_dim3A_857 = arith.constant 0.000000e+00 : f32
    %broadcast_in_dim3A_858 = vector.broadcast %broadcast_in_dim3A_857 : f32 to vector<16xf32>
    %swap3A_859 = arith.constant 143 : i32
    %swap3A_860 = arith.index_cast %swap3A_859 : i32 to index
    %swap3A_861 = arith.constant 0 : index
    %swap3A_862 = tpu.vector_load %arg5[%swap3A_860, %swap3A_861] {strides = array<i32>} : memref<152x16xf32, #tpu.memory_space<vmem>>, vector<16xf32>,
    tpu.vector_store %arg5[%swap3A_860, %swap3A_861], %broadcast_in_dim3A_858 {strides = array<i32>} : memref<152x16xf32, #tpu.memory_space<vmem>>, vector<16xf32>,
    %broadcast_in_dim3A_863 = arith.constant 0.000000e+00 : f32
    %broadcast_in_dim3A_864 = vector.broadcast %broadcast_in_dim3A_863 : f32 to vector<16xf32>
    %swap3A_865 = arith.constant 144 : i32
    %swap3A_866 = arith.index_cast %swap3A_865 : i32 to index
    %swap3A_867 = arith.constant 0 : index
    %swap3A_868 = tpu.vector_load %arg5[%swap3A_866, %swap3A_867] {strides = array<i32>} : memref<152x16xf32, #tpu.memory_space<vmem>>, vector<16xf32>,
    tpu.vector_store %arg5[%swap3A_866, %swap3A_867], %broadcast_in_dim3A_864 {strides = array<i32>} : memref<152x16xf32, #tpu.memory_space<vmem>>, vector<16xf32>,
    %broadcast_in_dim3A_869 = arith.constant 0.000000e+00 : f32
    %broadcast_in_dim3A_870 = vector.broadcast %broadcast_in_dim3A_869 : f32 to vector<16xf32>
    %swap3A_871 = arith.constant 145 : i32
    %swap3A_872 = arith.index_cast %swap3A_871 : i32 to index
    %swap3A_873 = arith.constant 0 : index
    %swap3A_874 = tpu.vector_load %arg5[%swap3A_872, %swap3A_873] {strides = array<i32>} : memref<152x16xf32, #tpu.memory_space<vmem>>, vector<16xf32>,
    tpu.vector_store %arg5[%swap3A_872, %swap3A_873], %broadcast_in_dim3A_870 {strides = array<i32>} : memref<152x16xf32, #tpu.memory_space<vmem>>, vector<16xf32>,
    %broadcast_in_dim3A_875 = arith.constant 0.000000e+00 : f32
    %broadcast_in_dim3A_876 = vector.broadcast %broadcast_in_dim3A_875 : f32 to vector<16xf32>
    %swap3A_877 = arith.constant 146 : i32
    %swap3A_878 = arith.index_cast %swap3A_877 : i32 to index
    %swap3A_879 = arith.constant 0 : index
    %swap3A_880 = tpu.vector_load %arg5[%swap3A_878, %swap3A_879] {strides = array<i32>} : memref<152x16xf32, #tpu.memory_space<vmem>>, vector<16xf32>,
    tpu.vector_store %arg5[%swap3A_878, %swap3A_879], %broadcast_in_dim3A_876 {strides = array<i32>} : memref<152x16xf32, #tpu.memory_space<vmem>>, vector<16xf32>,
    %broadcast_in_dim3A_881 = arith.constant 0.000000e+00 : f32
    %broadcast_in_dim3A_882 = vector.broadcast %broadcast_in_dim3A_881 : f32 to vector<16xf32>
    %swap3A_883 = arith.constant 147 : i32
    %swap3A_884 = arith.index_cast %swap3A_883 : i32 to index
    %swap3A_885 = arith.constant 0 : index
    %swap3A_886 = tpu.vector_load %arg5[%swap3A_884, %swap3A_885] {strides = array<i32>} : memref<152x16xf32, #tpu.memory_space<vmem>>, vector<16xf32>,
    tpu.vector_store %arg5[%swap3A_884, %swap3A_885], %broadcast_in_dim3A_882 {strides = array<i32>} : memref<152x16xf32, #tpu.memory_space<vmem>>, vector<16xf32>,
    %broadcast_in_dim3A_887 = arith.constant 0.000000e+00 : f32
    %broadcast_in_dim3A_888 = vector.broadcast %broadcast_in_dim3A_887 : f32 to vector<16xf32>
    %swap3A_889 = arith.constant 148 : i32
    %swap3A_890 = arith.index_cast %swap3A_889 : i32 to index
    %swap3A_891 = arith.constant 0 : index
    %swap3A_892 = tpu.vector_load %arg5[%swap3A_890, %swap3A_891] {strides = array<i32>} : memref<152x16xf32, #tpu.memory_space<vmem>>, vector<16xf32>,
    tpu.vector_store %arg5[%swap3A_890, %swap3A_891], %broadcast_in_dim3A_888 {strides = array<i32>} : memref<152x16xf32, #tpu.memory_space<vmem>>, vector<16xf32>,
    %broadcast_in_dim3A_893 = arith.constant 0.000000e+00 : f32
    %broadcast_in_dim3A_894 = vector.broadcast %broadcast_in_dim3A_893 : f32 to vector<16xf32>
    %swap3A_895 = arith.constant 149 : i32
    %swap3A_896 = arith.index_cast %swap3A_895 : i32 to index
    %swap3A_897 = arith.constant 0 : index
    %swap3A_898 = tpu.vector_load %arg5[%swap3A_896, %swap3A_897] {strides = array<i32>} : memref<152x16xf32, #tpu.memory_space<vmem>>, vector<16xf32>,
    tpu.vector_store %arg5[%swap3A_896, %swap3A_897], %broadcast_in_dim3A_894 {strides = array<i32>} : memref<152x16xf32, #tpu.memory_space<vmem>>, vector<16xf32>,
    %broadcast_in_dim3A_899 = arith.constant 0.000000e+00 : f32
    %broadcast_in_dim3A_900 = vector.broadcast %broadcast_in_dim3A_899 : f32 to vector<16xf32>
    %swap3A_901 = arith.constant 150 : i32
    %swap3A_902 = arith.index_cast %swap3A_901 : i32 to index
    %swap3A_903 = arith.constant 0 : index
    %swap3A_904 = tpu.vector_load %arg5[%swap3A_902, %swap3A_903] {strides = array<i32>} : memref<152x16xf32, #tpu.memory_space<vmem>>, vector<16xf32>,
    tpu.vector_store %arg5[%swap3A_902, %swap3A_903], %broadcast_in_dim3A_900 {strides = array<i32>} : memref<152x16xf32, #tpu.memory_space<vmem>>, vector<16xf32>,
    %broadcast_in_dim3A_905 = arith.constant 0.000000e+00 : f32
    %broadcast_in_dim3A_906 = vector.broadcast %broadcast_in_dim3A_905 : f32 to vector<16xf32>
    %swap3A_907 = arith.constant 151 : i32
    %swap3A_908 = arith.index_cast %swap3A_907 : i32 to index
    %swap3A_909 = arith.constant 0 : index
    %swap3A_910 = tpu.vector_load %arg5[%swap3A_908, %swap3A_909] {strides = array<i32>} : memref<152x16xf32, #tpu.memory_space<vmem>>, vector<16xf32>,
    tpu.vector_store %arg5[%swap3A_908, %swap3A_909], %broadcast_in_dim3A_906 {strides = array<i32>} : memref<152x16xf32, #tpu.memory_space<vmem>>, vector<16xf32>,
    %iota3A = tpu.iota {dimensions = array<i32: 0>} : vector<16xi32>
    %broadcast_in_dim3A_911 = arith.constant 1.000000e+00 : f32
    %broadcast_in_dim3A_912 = vector.broadcast %broadcast_in_dim3A_911 : f32 to vector<16xf32>
    %mul3A_913 = arith.constant 65536 : i32
    %mul3A_914 = arith.muli %add3A, %mul3A_913 : i32
    "tpu.region"() ({
      %run_scoped3A = tpu.sem_alloc : memref<!tpu.dma_semaphore, #tpu.memory_space<semaphore_mem>>
      %dma_start3A = tpu.memref_slice %arg2[%mul3A_914] : memref<2097152xi32, #tpu.memory_space<hbm>> -> memref<65536xi32, #tpu.memory_space<hbm>>
      %dma_start3A_919 = tpu.memref_slice %arg2[%mul3A_914] : memref<2097152xi32, #tpu.memory_space<hbm>> -> memref<65536xi32, #tpu.memory_space<hbm>>
      tpu.enqueue_dma source(%dma_start3A_919 : memref<65536xi32, #tpu.memory_space<hbm>>) target(%arg4 : memref<65536xi32, #tpu.memory_space<vmem>>) target_semaphore(%run_scoped3A : memref<!tpu.dma_semaphore, #tpu.memory_space<semaphore_mem>>)
      %dma_wait3A = tpu.memref_slice %arg2[%mul3A_914] : memref<2097152xi32, #tpu.memory_space<hbm>> -> memref<65536xi32, #tpu.memory_space<hbm>>
      %dma_wait3A_920 = tpu.memref_slice %arg2[%mul3A_914] : memref<2097152xi32, #tpu.memory_space<hbm>> -> memref<65536xi32, #tpu.memory_space<hbm>>
      tpu.wait_dma2 semaphore(%run_scoped3A : memref<!tpu.dma_semaphore, #tpu.memory_space<semaphore_mem>>) src(%dma_wait3A_920 : memref<65536xi32, #tpu.memory_space<hbm>>) dst(%arg4 : memref<65536xi32, #tpu.memory_space<vmem>>)
      tpu.yield
    }) : () -> ()
    %parallel_loop3A = arith.constant 0 : i32
    %parallel_loop3A_915 = arith.constant 512 : i32
    %parallel_loop3A_916 = arith.constant 1 : i32
    scf.for %parallel_loop3A_919 = %parallel_loop3A to %parallel_loop3A_915 step %parallel_loop3A_916  : i32 {
      %parallel_loop3A_920 = arith.constant 16 : i32
      %parallel_loop3A_921 = arith.muli %parallel_loop3A_919, %parallel_loop3A_920 : i32
      %parallel_loop3A_922 = arith.constant 0 : i32
      %parallel_loop3A_923 = arith.addi %parallel_loop3A_922, %parallel_loop3A_921 : i32
      %parallel_loop3A_924 = arith.index_cast %parallel_loop3A_923 : i32 to index
      %parallel_loop3A_925 = tpu.vector_load %arg4[%parallel_loop3A_924] {strides = array<i32>} : memref<65536xi32, #tpu.memory_space<vmem>>, vector<16xi32>,
      %parallel_loop3A_926 = arith.constant 0 : i32
      %parallel_loop3A_927 = vector.broadcast %parallel_loop3A_926 : i32 to vector<16xi32>
      %parallel_loop3A_928 = arith.addi %parallel_loop3A_925, %parallel_loop3A_927 : vector<16xi32>
      tpu.vector_store_idx %arg5[%parallel_loop3A_928, %iota3A], %broadcast_in_dim3A_912 {add = true} : memref<152x16xf32, #tpu.memory_space<vmem>>[vector<16xi32>, vector<16xi32>], vector<16xf32>,
      %parallel_loop3A_929 = arith.constant 8192 : i32
      %parallel_loop3A_930 = arith.addi %parallel_loop3A_929, %parallel_loop3A_921 : i32
      %parallel_loop3A_931 = arith.index_cast %parallel_loop3A_930 : i32 to index
      %parallel_loop3A_932 = tpu.vector_load %arg4[%parallel_loop3A_931] {strides = array<i32>} : memref<65536xi32, #tpu.memory_space<vmem>>, vector<16xi32>,
      %parallel_loop3A_933 = arith.constant 19 : i32
      %parallel_loop3A_934 = vector.broadcast %parallel_loop3A_933 : i32 to vector<16xi32>
      %parallel_loop3A_935 = arith.addi %parallel_loop3A_932, %parallel_loop3A_934 : vector<16xi32>
      tpu.vector_store_idx %arg5[%parallel_loop3A_935, %iota3A], %broadcast_in_dim3A_912 {add = true} : memref<152x16xf32, #tpu.memory_space<vmem>>[vector<16xi32>, vector<16xi32>], vector<16xf32>,
      %parallel_loop3A_936 = arith.constant 16384 : i32
      %parallel_loop3A_937 = arith.addi %parallel_loop3A_936, %parallel_loop3A_921 : i32
      %parallel_loop3A_938 = arith.index_cast %parallel_loop3A_937 : i32 to index
      %parallel_loop3A_939 = tpu.vector_load %arg4[%parallel_loop3A_938] {strides = array<i32>} : memref<65536xi32, #tpu.memory_space<vmem>>, vector<16xi32>,
      %parallel_loop3A_940 = arith.constant 38 : i32
      %parallel_loop3A_941 = vector.broadcast %parallel_loop3A_940 : i32 to vector<16xi32>
      %parallel_loop3A_942 = arith.addi %parallel_loop3A_939, %parallel_loop3A_941 : vector<16xi32>
      tpu.vector_store_idx %arg5[%parallel_loop3A_942, %iota3A], %broadcast_in_dim3A_912 {add = true} : memref<152x16xf32, #tpu.memory_space<vmem>>[vector<16xi32>, vector<16xi32>], vector<16xf32>,
      %parallel_loop3A_943 = arith.constant 24576 : i32
      %parallel_loop3A_944 = arith.addi %parallel_loop3A_943, %parallel_loop3A_921 : i32
      %parallel_loop3A_945 = arith.index_cast %parallel_loop3A_944 : i32 to index
      %parallel_loop3A_946 = tpu.vector_load %arg4[%parallel_loop3A_945] {strides = array<i32>} : memref<65536xi32, #tpu.memory_space<vmem>>, vector<16xi32>,
      %parallel_loop3A_947 = arith.constant 57 : i32
      %parallel_loop3A_948 = vector.broadcast %parallel_loop3A_947 : i32 to vector<16xi32>
      %parallel_loop3A_949 = arith.addi %parallel_loop3A_946, %parallel_loop3A_948 : vector<16xi32>
      tpu.vector_store_idx %arg5[%parallel_loop3A_949, %iota3A], %broadcast_in_dim3A_912 {add = true} : memref<152x16xf32, #tpu.memory_space<vmem>>[vector<16xi32>, vector<16xi32>], vector<16xf32>,
      %parallel_loop3A_950 = arith.constant 32768 : i32
      %parallel_loop3A_951 = arith.addi %parallel_loop3A_950, %parallel_loop3A_921 : i32
      %parallel_loop3A_952 = arith.index_cast %parallel_loop3A_951 : i32 to index
      %parallel_loop3A_953 = tpu.vector_load %arg4[%parallel_loop3A_952] {strides = array<i32>} : memref<65536xi32, #tpu.memory_space<vmem>>, vector<16xi32>,
      %parallel_loop3A_954 = arith.constant 76 : i32
      %parallel_loop3A_955 = vector.broadcast %parallel_loop3A_954 : i32 to vector<16xi32>
      %parallel_loop3A_956 = arith.addi %parallel_loop3A_953, %parallel_loop3A_955 : vector<16xi32>
      tpu.vector_store_idx %arg5[%parallel_loop3A_956, %iota3A], %broadcast_in_dim3A_912 {add = true} : memref<152x16xf32, #tpu.memory_space<vmem>>[vector<16xi32>, vector<16xi32>], vector<16xf32>,
      %parallel_loop3A_957 = arith.constant 40960 : i32
      %parallel_loop3A_958 = arith.addi %parallel_loop3A_957, %parallel_loop3A_921 : i32
      %parallel_loop3A_959 = arith.index_cast %parallel_loop3A_958 : i32 to index
      %parallel_loop3A_960 = tpu.vector_load %arg4[%parallel_loop3A_959] {strides = array<i32>} : memref<65536xi32, #tpu.memory_space<vmem>>, vector<16xi32>,
      %parallel_loop3A_961 = arith.constant 95 : i32
      %parallel_loop3A_962 = vector.broadcast %parallel_loop3A_961 : i32 to vector<16xi32>
      %parallel_loop3A_963 = arith.addi %parallel_loop3A_960, %parallel_loop3A_962 : vector<16xi32>
      tpu.vector_store_idx %arg5[%parallel_loop3A_963, %iota3A], %broadcast_in_dim3A_912 {add = true} : memref<152x16xf32, #tpu.memory_space<vmem>>[vector<16xi32>, vector<16xi32>], vector<16xf32>,
      %parallel_loop3A_964 = arith.constant 49152 : i32
      %parallel_loop3A_965 = arith.addi %parallel_loop3A_964, %parallel_loop3A_921 : i32
      %parallel_loop3A_966 = arith.index_cast %parallel_loop3A_965 : i32 to index
      %parallel_loop3A_967 = tpu.vector_load %arg4[%parallel_loop3A_966] {strides = array<i32>} : memref<65536xi32, #tpu.memory_space<vmem>>, vector<16xi32>,
      %parallel_loop3A_968 = arith.constant 114 : i32
      %parallel_loop3A_969 = vector.broadcast %parallel_loop3A_968 : i32 to vector<16xi32>
      %parallel_loop3A_970 = arith.addi %parallel_loop3A_967, %parallel_loop3A_969 : vector<16xi32>
      tpu.vector_store_idx %arg5[%parallel_loop3A_970, %iota3A], %broadcast_in_dim3A_912 {add = true} : memref<152x16xf32, #tpu.memory_space<vmem>>[vector<16xi32>, vector<16xi32>], vector<16xf32>,
      %parallel_loop3A_971 = arith.constant 57344 : i32
      %parallel_loop3A_972 = arith.addi %parallel_loop3A_971, %parallel_loop3A_921 : i32
      %parallel_loop3A_973 = arith.index_cast %parallel_loop3A_972 : i32 to index
      %parallel_loop3A_974 = tpu.vector_load %arg4[%parallel_loop3A_973] {strides = array<i32>} : memref<65536xi32, #tpu.memory_space<vmem>>, vector<16xi32>,
      %parallel_loop3A_975 = arith.constant 133 : i32
      %parallel_loop3A_976 = vector.broadcast %parallel_loop3A_975 : i32 to vector<16xi32>
      %parallel_loop3A_977 = arith.addi %parallel_loop3A_974, %parallel_loop3A_976 : vector<16xi32>
      tpu.vector_store_idx %arg5[%parallel_loop3A_977, %iota3A], %broadcast_in_dim3A_912 {add = true} : memref<152x16xf32, #tpu.memory_space<vmem>>[vector<16xi32>, vector<16xi32>], vector<16xf32>,
    } {sc.loop_unroll_factor = 4 : i64, sc.parallel_access}
    %mul3A_917 = arith.constant 152 : i32
    %mul3A_918 = arith.muli %add3A, %mul3A_917 : i32
    "tpu.region"() ({
      %run_scoped3A = tpu.sem_alloc : memref<!tpu.dma_semaphore, #tpu.memory_space<semaphore_mem>>
      %dma_start3A = arith.constant 0 : i32
      %dma_start3A_919 = tpu.memref_slice %arg3[%mul3A_918, %dma_start3A] : memref<4864x16xf32, #tpu.memory_space<hbm>> -> memref<152x16xf32, #tpu.memory_space<hbm>>
      %dma_start3A_920 = arith.constant 0 : i32
      %dma_start3A_921 = tpu.memref_slice %arg3[%mul3A_918, %dma_start3A_920] : memref<4864x16xf32, #tpu.memory_space<hbm>> -> memref<152x16xf32, #tpu.memory_space<hbm>>
      tpu.enqueue_dma source(%arg5 : memref<152x16xf32, #tpu.memory_space<vmem>>) target(%dma_start3A_921 : memref<152x16xf32, #tpu.memory_space<hbm>>) target_semaphore(%run_scoped3A : memref<!tpu.dma_semaphore, #tpu.memory_space<semaphore_mem>>)
      %dma_wait3A = arith.constant 0 : i32
      %dma_wait3A_922 = tpu.memref_slice %arg3[%mul3A_918, %dma_wait3A] : memref<4864x16xf32, #tpu.memory_space<hbm>> -> memref<152x16xf32, #tpu.memory_space<hbm>>
      %dma_wait3A_923 = arith.constant 0 : i32
      %dma_wait3A_924 = tpu.memref_slice %arg3[%mul3A_918, %dma_wait3A_923] : memref<4864x16xf32, #tpu.memory_space<hbm>> -> memref<152x16xf32, #tpu.memory_space<hbm>>
      tpu.wait_dma2 semaphore(%run_scoped3A : memref<!tpu.dma_semaphore, #tpu.memory_space<semaphore_mem>>) src(%arg5 : memref<152x16xf32, #tpu.memory_space<vmem>>) dst(%dma_wait3A_924 : memref<152x16xf32, #tpu.memory_space<hbm>>)
      tpu.yield
    }) : () -> ()
    return
  }
}

module attributes {stable_mosaic.version = 14 : i64} {
  func.func @_combine_body(%arg0: memref<8x19xf32, #tpu.memory_space<vmem>>, %arg1: memref<8x32x19x16xf32, #tpu.memory_space<vmem>>, %arg2: memref<1x1xf32, #tpu.memory_space<vmem>>) attributes {dimension_semantics = [], scalar_prefetch = 0 : i64, scratch_operands = 0 : i64, tpu.core_type = #tpu.core_type<tc>} {
    %get3A = arith.constant 0 : index
    %get3A_0 = arith.constant 0 : index
    %get3A_1 = vector.load %arg0[%get3A, %get3A_0] : memref<8x19xf32, #tpu.memory_space<vmem>>, vector<8x19xf32>
    %get3A_2 = arith.constant 0 : index
    %get3A_3 = arith.constant 0 : index
    %get3A_4 = arith.constant 0 : index
    %get3A_5 = arith.constant 0 : index
    %get3A_6 = vector.load %arg1[%get3A_2, %get3A_3, %get3A_4, %get3A_5] : memref<8x32x19x16xf32, #tpu.memory_space<vmem>>, vector<8x32x19x16xf32>
    %reduce_sum3A = arith.constant dense<0.000000e+00> : vector<8x19xf32>
    %reduce_sum3A_7 = vector.multi_reduction <add>, %get3A_6, %reduce_sum3A [1, 3] : vector<8x32x19x16xf32> to vector<8x19xf32>
    %reduce_sum3A_8 = arith.constant dense<0.000000e+00> : vector<19xf32>
    %reduce_sum3A_9 = vector.multi_reduction <add>, %reduce_sum3A_7, %reduce_sum3A_8 [0] : vector<8x19xf32> to vector<19xf32>
    %reduce_sum3A_10 = vector.shape_cast %reduce_sum3A_9 : vector<19xf32> to vector<1x19xf32>
    %reduce_sum3A_11 = arith.constant dense<0.000000e+00> : vector<1xf32>
    %reduce_sum3A_12 = vector.multi_reduction <add>, %reduce_sum3A_10, %reduce_sum3A_11 [1] : vector<1x19xf32> to vector<1xf32>
    %reduce_sum3A_13 = vector.shape_cast %reduce_sum3A_12 : vector<1xf32> to vector<1x1xf32>
    %reduce_sum3A_14 = vector.extract %reduce_sum3A_13[0, 0] : f32 from vector<1x1xf32>
    %div3A = vector.broadcast %reduce_sum3A_14 : f32 to vector<19xf32>
    %div3A_15 = arith.divf %reduce_sum3A_9, %div3A : vector<19xf32>
    %ne3A = arith.constant 0.000000e+00 : f32
    %ne3A_16 = vector.broadcast %ne3A : f32 to vector<19xf32>
    %ne3A_17 = arith.cmpf one, %reduce_sum3A_9, %ne3A_16 : vector<19xf32>
    %sub3A = arith.constant 1.000000e+00 : f32
    %sub3A_18 = vector.broadcast %sub3A : f32 to vector<19xf32>
    %sub3A_19 = arith.subf %sub3A_18, %div3A_15 : vector<19xf32>
    %mul3A = arith.constant 1.000000e+00 : f32
    %mul3A_20 = vector.broadcast %mul3A : f32 to vector<19xf32>
    %mul3A_21 = arith.mulf %mul3A_20, %sub3A_19 : vector<19xf32>
    %jit3A = arith.constant 0.000000e+00 : f32
    %broadcast_in_dim3A = vector.broadcast %jit3A : f32 to vector<19xf32>
    %select_n3A = arith.select %ne3A_17, %mul3A_21, %broadcast_in_dim3A : vector<19xi1>, vector<19xf32>
    %add3A = arith.constant 1.000000e+00 : f32
    %add3A_22 = vector.broadcast %add3A : f32 to vector<19xf32>
    %add3A_23 = arith.addf %select_n3A, %add3A_22 : vector<19xf32>
    %broadcast_in_dim3A_24 = vector.shape_cast %add3A_23 : vector<19xf32> to vector<1x19xf32>
    %mul3A_25 = vector.broadcast %broadcast_in_dim3A_24 : vector<1x19xf32> to vector<8x19xf32>
    %mul3A_26 = arith.mulf %mul3A_25, %get3A_1 : vector<8x19xf32>
    %reduce_sum3A_27 = arith.constant dense<0.000000e+00> : vector<8xf32>
    %reduce_sum3A_28 = vector.multi_reduction <add>, %mul3A_26, %reduce_sum3A_27 [1] : vector<8x19xf32> to vector<8xf32>
    %neg3A = arith.constant 0.000000e+00 : f32
    %neg3A_29 = vector.broadcast %neg3A : f32 to vector<8xf32>
    %neg3A_30 = arith.subf %neg3A_29, %reduce_sum3A_28 : vector<8xf32>
    %broadcast_in_dim3A_31 = vector.shape_cast %add3A_23 : vector<19xf32> to vector<1x19xf32>
    %mul3A_32 = vector.broadcast %broadcast_in_dim3A_31 : vector<1x19xf32> to vector<8x19xf32>
    %mul3A_33 = arith.mulf %mul3A_32, %reduce_sum3A_7 : vector<8x19xf32>
    %reduce_sum3A_34 = arith.constant dense<0.000000e+00> : vector<8xf32>
    %reduce_sum3A_35 = vector.multi_reduction <add>, %mul3A_33, %reduce_sum3A_34 [1] : vector<8x19xf32> to vector<8xf32>
    %div3A_36 = arith.divf %neg3A_30, %reduce_sum3A_35 : vector<8xf32>
    %reduce_sum3A_37 = vector.shape_cast %div3A_36 : vector<8xf32> to vector<1x8xf32>
    %reduce_sum3A_38 = arith.constant dense<0.000000e+00> : vector<1xf32>
    %reduce_sum3A_39 = vector.multi_reduction <add>, %reduce_sum3A_37, %reduce_sum3A_38 [1] : vector<1x8xf32> to vector<1xf32>
    %reduce_sum3A_40 = vector.shape_cast %reduce_sum3A_39 : vector<1xf32> to vector<1x1xf32>
    %reduce_sum3A_41 = vector.extract %reduce_sum3A_40[0, 0] : f32 from vector<1x1xf32>
    %reshape3A = vector.broadcast %reduce_sum3A_41 : f32 to vector<1x1xf32>
    %swap3A = arith.constant 0 : index
    %swap3A_42 = arith.constant 0 : index
    %swap3A_43 = vector.load %arg2[%swap3A, %swap3A_42] : memref<1x1xf32, #tpu.memory_space<vmem>>, vector<1x1xf32>
    tpu.vector_store %arg2[%swap3A, %swap3A_42], %reshape3A {strides = array<i32>} : memref<1x1xf32, #tpu.memory_space<vmem>>, vector<1x1xf32>,
    return
  }
}

module attributes {stable_mosaic.version = 14 : i64} {
  func.func @_s_body(%arg0: i32, %arg1: i32, %arg2: memref<1x19x256x512xf32, #tpu.memory_space<vmem>>, %arg3: memref<1x256x512xi32, #tpu.memory_space<vmem>>, %arg4: memref<8x19xf32, #tpu.memory_space<vmem>>) attributes {dimension_semantics = [#tpu.dimension_semantics<arbitrary>, #tpu.dimension_semantics<arbitrary>], iteration_bounds = array<i64: 8, 2>, scalar_prefetch = 0 : i64, scratch_operands = 0 : i64, tpu.core_type = #tpu.core_type<tc>, window_params = [{transform_indices = @transform_0, window_bounds = array<i64: 1, 19, 256, 512>}, {transform_indices = @transform_1, window_bounds = array<i64: 1, 256, 512>}, {pipeline_mode = #tpu.pipeline_mode<synchronous>, transform_indices = @transform_2, window_bounds = array<i64: 8, 19>}]} {
    %eq3A = arith.constant 0 : i32
    %eq3A_0 = arith.cmpi eq, %arg0, %eq3A : i32
    %eq3A_1 = arith.constant 0 : i32
    %eq3A_2 = arith.cmpi eq, %arg1, %eq3A_1 : i32
    %and3A = arith.andi %eq3A_0, %eq3A_2 : i1
    %convert_element_type3A = arith.extui %and3A : i1 to i32
    %cond3A = arith.constant 0 : i32
    %cond3A_3 = arith.cmpi ne, %convert_element_type3A, %cond3A : i32
    scf.if %cond3A_3 {
      %broadcast_in_dim3A_34 = arith.constant 0.000000e+00 : f32
      %broadcast_in_dim3A_35 = vector.broadcast %broadcast_in_dim3A_34 : f32 to vector<8x19xf32>
      %swap3A_36 = arith.constant 0 : index
      %swap3A_37 = arith.constant 0 : index
      %swap3A_38 = vector.load %arg4[%swap3A_36, %swap3A_37] : memref<8x19xf32, #tpu.memory_space<vmem>>, vector<8x19xf32>
      tpu.vector_store %arg4[%swap3A_36, %swap3A_37], %broadcast_in_dim3A_35 {strides = array<i32>} : memref<8x19xf32, #tpu.memory_space<vmem>>, vector<8x19xf32>,
    } else {
    }
    %get3A = arith.constant 0 : index
    %get3A_4 = arith.constant 0 : index
    %get3A_5 = arith.constant 0 : index
    %get3A_6 = arith.constant 0 : index
    %get3A_7 = vector.load %arg2[%get3A, %get3A_4, %get3A_5, %get3A_6] : memref<1x19x256x512xf32, #tpu.memory_space<vmem>>, vector<1x19x256x512xf32>
    %get3A_8 = vector.shape_cast %get3A_7 : vector<1x19x256x512xf32> to vector<19x256x512xf32>
    %get3A_9 = arith.constant 0 : index
    %get3A_10 = arith.constant 0 : index
    %get3A_11 = arith.constant 0 : index
    %get3A_12 = vector.load %arg3[%get3A_9, %get3A_10, %get3A_11] : memref<1x256x512xi32, #tpu.memory_space<vmem>>, vector<1x256x512xi32>
    %get3A_13 = vector.shape_cast %get3A_12 : vector<1x256x512xi32> to vector<256x512xi32>
    %exp3A = math.exp %get3A_8 : vector<19x256x512xf32>
    %reduce_sum3A = arith.constant dense<0.000000e+00> : vector<256x512xf32>
    %reduce_sum3A_14 = vector.multi_reduction <add>, %exp3A, %reduce_sum3A [0] : vector<19x256x512xf32> to vector<256x512xf32>
    %log3A = math.log %reduce_sum3A_14 : vector<256x512xf32>
    %iota3A = tpu.iota {dimensions = array<i32: 0>} : vector<19x256x512xi32>
    %broadcast_in_dim3A = vector.shape_cast %get3A_13 : vector<256x512xi32> to vector<1x256x512xi32>
    %eq3A_15 = vector.broadcast %broadcast_in_dim3A : vector<1x256x512xi32> to vector<19x256x512xi32>
    %eq3A_16 = arith.cmpi eq, %iota3A, %eq3A_15 : vector<19x256x512xi32>
    %broadcast_in_dim3A_17 = vector.shape_cast %log3A : vector<256x512xf32> to vector<1x256x512xf32>
    %sub3A = vector.broadcast %broadcast_in_dim3A_17 : vector<1x256x512xf32> to vector<19x256x512xf32>
    %sub3A_18 = arith.subf %get3A_8, %sub3A : vector<19x256x512xf32>
    %jit3A = arith.constant 0.000000e+00 : f32
    %broadcast_in_dim3A_19 = vector.broadcast %jit3A : f32 to vector<19x256x512xf32>
    %select_n3A = arith.select %eq3A_16, %sub3A_18, %broadcast_in_dim3A_19 : vector<19x256x512xi1>, vector<19x256x512xf32>
    %reduce_sum3A_20 = arith.constant dense<0.000000e+00> : vector<19xf32>
    %reduce_sum3A_21 = vector.multi_reduction <add>, %select_n3A, %reduce_sum3A_20 [1, 2] : vector<19x256x512xf32> to vector<19xf32>
    %iota3A_22 = tpu.iota {dimensions = array<i32: 0>} : vector<8x19xi32>
    %eq3A_23 = vector.broadcast %arg0 : i32 to vector<8x19xi32>
    %eq3A_24 = arith.cmpi eq, %iota3A_22, %eq3A_23 : vector<8x19xi32>
    %convert_element_type3A_25 = arith.extui %eq3A_24 : vector<8x19xi1> to vector<8x19xi32>
    %convert_element_type3A_26 = arith.sitofp %convert_element_type3A_25 : vector<8x19xi32> to vector<8x19xf32>
    %get3A_27 = arith.constant 0 : index
    %get3A_28 = arith.constant 0 : index
    %get3A_29 = vector.load %arg4[%get3A_27, %get3A_28] : memref<8x19xf32, #tpu.memory_space<vmem>>, vector<8x19xf32>
    %broadcast_in_dim3A_30 = vector.shape_cast %reduce_sum3A_21 : vector<19xf32> to vector<1x19xf32>
    %mul3A = vector.broadcast %broadcast_in_dim3A_30 : vector<1x19xf32> to vector<8x19xf32>
    %mul3A_31 = arith.mulf %convert_element_type3A_26, %mul3A : vector<8x19xf32>
    %add3A = arith.addf %get3A_29, %mul3A_31 : vector<8x19xf32>
    %swap3A = arith.constant 0 : index
    %swap3A_32 = arith.constant 0 : index
    %swap3A_33 = vector.load %arg4[%swap3A, %swap3A_32] : memref<8x19xf32, #tpu.memory_space<vmem>>, vector<8x19xf32>
    tpu.vector_store %arg4[%swap3A, %swap3A_32], %add3A {strides = array<i32>} : memref<8x19xf32, #tpu.memory_space<vmem>>, vector<8x19xf32>,
    return
  }
  func.func @transform_0(%arg0: i32, %arg1: i32) -> (i32, i32, i32, i32) {
    %c0_i32 = arith.constant 0 : i32
    %c0_i32_0 = arith.constant 0 : i32
    %c0_i32_1 = arith.constant 0 : i32
    return %arg0, %c0_i32, %arg1, %c0_i32_0 : i32, i32, i32, i32
  }
  func.func @transform_1(%arg0: i32, %arg1: i32) -> (i32, i32, i32) {
    %c0_i32 = arith.constant 0 : i32
    %c0_i32_0 = arith.constant 0 : i32
    return %arg0, %arg1, %c0_i32 : i32, i32, i32
  }
  func.func @transform_2(%arg0: i32, %arg1: i32) -> (i32, i32) {
    %c0_i32 = arith.constant 0 : i32
    %c0_i32_0 = arith.constant 0 : i32
    %c0_i32_1 = arith.constant 0 : i32
    return %c0_i32, %c0_i32_0 : i32, i32
  }
}

</mosaic_0001>

<sc_bundles>
// kernel: kernel.5.cloned.1.call-start
scs
__scs_entry_jumppad:
0x0: {  	(pc) =	sbr.rel $0x88, $3  }
0x1: {  	(tag) =	ssettag $0x0;
	lr =	simm.s32 $0x1  }
0x2: {  	[smem:$0x3F9F] =	sst lr;
	_ =	strace $0xD0000000  }
0x3: {  	_ = 	snop  }
0x4: {  	_ = 	snop  }
0x5: {  	_ = 	snop  }
0x6: {  	_ = 	snop  }
0x7: {  	_ = 	snop  }
__scs_overlays_trampoline_lowered:
0x8: {  	[smem:$0x3FAE] =	sst s0  }
0x9: {  	[smem:$0x3FAF] =	sst s1  }
0xa: {  	[smem:$0x3FB0] =	sst s2  }
0xb: {  	[smem:$0x3FB1] =	sst s3  }
0xc: {  	[smem:$0x3FB2] =	sst s4  }
0xd: {  	[smem:$0x3FB3] =	sst s5  }
0xe: {  	[smem:$0x3FB4] =	sst s6  }
0xf: {  	[smem:$0x3FB5] =	sst s7  }
0x10: {  	[smem:$0x3FB6] =	sst s8  }
0x11: {  	[smem:$0x3FB7] =	sst s9;
	s0 =	simm.s32 @!p0 $0x0  }
0x12: {  	s1 =	sld [smem:$0x3F9D];
	s0 =	simm.s32 @p0 $0x1  }
0x13: {  	[smem:$0x3FB8] =	sst s0;
	s0 =	simm.s32 @!p1 $0x0  }
0x14: {  	s2 =	sld [smem:$0x3F9C];
	s0 =	simm.s32 @p1 $0x1  }
0x15: {  	[smem:$0x3FB9] =	sst s0;
	s0 =	simm.s32 @!p2 $0x0  }
0x16: {  	s3 =	sld [smem:$0x3FDB];
	s0 =	simm.s32 @p2 $0x1  }
0x17: {  	s4 =	simm.s32 $0x1BF5;
	[smem:$0x3FBB] =	sst s0  }
0x18: {  	s0 =	sld [smem:$0x3F9E];
	_ =	swait.ge [sflag:s4], $0x0  }
0x19: {  	s7 =	sld [smem:$0x3F9F]  }
0x1a: {  	s8 =	sadd.s32 $0xFFFFE003, lr  }
0x1b: {  	s9 =	sadd.s32 $0xFFFFFEF7, lr;
	s5 =	simm.s32 $0xFFFFFFFF;
	p2 =	slt.u32 s8, $0xFFFFF086  }
0x1c: {  	p1 =	slt.u32 s9, $0xF7A;
	s5 =	simm.s32 @!p2 $0x0  }
0x1d: {  	s5 =	simm.s32 @p1 $0x1;
	p0 =	seq.s32 s7, s2  }
0x1e: {  	s7 =	smul.u32 @!p0 $0xF7A, s2;
	p2 =	seq.s32 @!p0 s5, $0x0  }
0x1f: {  	s9 =	smul.u32 $0xF7A, s1;
	s8 =	simm.s32 @!p0 $0x1BF5;
	p2 =	por !p2, p0  }
0x20: {  	[sflag:s8] =	ssyncset.s32 @!p0 $0xFFFFF086;
	s6 =	sadd.s32 @!p0 s3, s7;
	s7 =	simm.s32 @!p0 $0x108  }
0x21: {  	s3 =	sadd.s32 s3, s9;
	s6 =	sadd.s32 @!p0 $0x88, s6;
	s7 =	simm.s32 @p2 $0x1082  }
0x22: {  	[simem:s7], [sflag:s8] =	dma.local @!p0 [hbm:s6], $0xF7A  }
0x23: {  	s9 =	sor.u32 $0xD0000000, s2;
	s6 =	simm.s32 $0x108;
	_ =	swait.ge @!p0 [sflag:s8], $0x0  }
0x24: {  	s3 =	sadd.s32 $0x88, s3;
	s6 =	simm.s32 @!p1 $0x1082;
	[sflag:s4] =	ssyncset.s32 $0xFFFFF086  }
0x25: {  	[simem:s6], [sflag:s4] =	dma.local [hbm:s3], $0xF7A  }
0x26: {  	[smem:$0x3F9F] =	sst s1;
	(tag) =	ssettag s2;
	_ =	strace s9  }
0x27: {  	s1 =	sld [smem:$0x3FAF]  }
0x28: {  	s2 =	sld [smem:$0x3FB0]  }
0x29: {  	s4 =	sld [smem:$0x3FB2]  }
0x2a: {  	p0 =	seq.s32 s5, $0x0;
	s5 =	sld [smem:$0x3FB3]  }
0x2b: {  	s6 =	sld [smem:$0x3FB4]  }
0x2c: {  	s7 =	sld [smem:$0x3FB5]  }
0x2d: {  	s3 =	simm.s32 $0x108;
	s8 =	sld [smem:$0x3FB6]  }
0x2e: {  	s3 =	simm.s32 @!p0 $0x1082;
	s9 =	sld [smem:$0x3FB7]  }
0x2f: {  	lr =	sadd.s32 s0, s3;
	s0 =	sld [smem:$0x3FAE]  }
0x30: {  	s3 =	sld [smem:$0x3FB1]  }
0x31: {  	[smem:$0x3FBA] =	sst s10  }
0x32: {  	s10 =	sld [smem:$0x3FB8];
	_ =	sdelay $0x3  }
0x33: {  	p0 =	seq.s32 s10, $0x1;
	s10 =	sld [smem:$0x3FBA];
	_ =	sdelay $0x3  }
0x34: {  	[smem:$0x3FBA] =	sst s10  }
0x35: {  	s10 =	sld [smem:$0x3FB9];
	_ =	sdelay $0x3  }
0x36: {  	p1 =	seq.s32 s10, $0x1;
	s10 =	sld [smem:$0x3FBA];
	_ =	sdelay $0x3  }
0x37: {  	[smem:$0x3FBA] =	sst s10  }
0x38: {  	s10 =	sld [smem:$0x3FBB]  }
0x39: {  	_ = 	snop;
	(pc) =	sbr.ind lr, $3  }
0x3a: {  	_ = 	snop  }
0x3b: {  	_ = 	snop  }
0x3c: {  	p2 =	seq.s32 s10, $0x1;
	s10 =	sld [smem:$0x3FBA]  }
0x3d: {  	_ =	shalt  }
0x3e: {  	_ =	shalt  }
0x3f: {  	_ =	shalt  }
0x40: {  	_ =	shalt  }
0x41: {  	_ =	shalt  }
0x42: {  	_ =	shalt  }
0x43: {  	_ =	shalt  }
0x44: {  	_ =	shalt  }
0x45: {  	_ =	shalt  }
0x46: {  	_ =	shalt  }
0x47: {  	_ =	shalt  }
0x48: {  	_ =	shalt  }
0x49: {  	_ =	shalt  }
0x4a: {  	_ =	shalt  }
0x4b: {  	_ =	shalt  }
0x4c: {  	_ =	shalt  }
0x4d: {  	_ =	shalt  }
0x4e: {  	_ =	shalt  }
0x4f: {  	_ =	shalt  }
0x50: {  	_ =	shalt  }
0x51: {  	_ =	shalt  }
0x52: {  	_ =	shalt  }
0x53: {  	_ =	shalt  }
0x54: {  	_ =	shalt  }
0x55: {  	_ =	shalt  }
0x56: {  	_ =	shalt  }
0x57: {  	_ =	shalt  }
0x58: {  	_ =	shalt  }
0x59: {  	_ =	shalt  }
0x5a: {  	_ =	shalt  }
0x5b: {  	_ =	shalt  }
0x5c: {  	_ =	shalt  }
0x5d: {  	_ =	shalt  }
0x5e: {  	_ =	shalt  }
0x5f: {  	_ =	shalt  }
0x60: {  	_ =	shalt  }
0x61: {  	_ =	shalt  }
0x62: {  	_ =	shalt  }
0x63: {  	_ =	shalt  }
0x64: {  	_ =	shalt  }
0x65: {  	_ =	shalt  }
0x66: {  	_ =	shalt  }
0x67: {  	_ =	shalt  }
0x68: {  	_ =	shalt  }
0x69: {  	_ =	shalt  }
0x6a: {  	_ =	shalt  }
0x6b: {  	_ =	shalt  }
0x6c: {  	_ =	shalt  }
0x6d: {  	_ =	shalt  }
0x6e: {  	_ =	shalt  }
0x6f: {  	_ =	shalt  }
0x70: {  	_ =	shalt  }
0x71: {  	_ =	shalt  }
0x72: {  	_ =	shalt  }
0x73: {  	_ =	shalt  }
0x74: {  	_ =	shalt  }
0x75: {  	_ =	shalt  }
0x76: {  	_ =	shalt  }
0x77: {  	_ =	shalt  }
0x78: {  	_ =	shalt  }
0x79: {  	_ =	shalt  }
0x7a: {  	_ =	shalt  }
0x7b: {  	_ =	shalt  }
0x7c: {  	_ =	shalt  }
0x7d: {  	_ =	shalt  }
0x7e: {  	_ =	shalt  }
0x7f: {  	_ =	shalt  }
0x80: {  	_ =	shalt  }
0x81: {  	_ =	shalt  }
0x82: {  	_ =	shalt  }
0x83: {  	_ =	shalt  }
0x84: {  	_ =	shalt  }
0x85: {  	_ =	shalt  }
0x86: {  	_ =	shalt  }
0x87: {  	_ =	shalt  }
.Lfunc_end0:
.L_simem_size_0:
called_computation_lowered:
.L_overlay_start_0:
0x88: {  	s2 =	sld [smem:$0x3FD9]  }
0x89: {  	s3 =	sld [smem:$0x3FFE];
	_ =	sdelay $0x1  }
0x8a: {  	s1 =	srdreg.scid  }
0x8b: {  	s0 =	sand.u32 $0x1, s1  }
0x8c: {  	s16 =	sshll.u32 s0, $0xA;
	s2 =	sadd.s32 s3, s2  }
0x8d: {  	s2 =	sadd.s32 s2, s16  }
0x8e: {  	[smem:$0x3FC6] =	sst s2  }
0x8f: {  	_ = 	snop  }
0x90: {  	(tm) =	ssettm $0x1  }
0x91: {  	s17 =	sld [smem:$0x3FFB];
	_ =	sdelay $0x3  }
0x92: {  	_ =	strace s17  }
0x93: {  	s2 =	sld [smem:$0x3FFC];
	_ =	sdelay $0x3  }
0x94: {  	_ =	strace s2  }
0x95: {  	s2 =	sld [smem:$0x3FFD];
	_ =	sdelay $0x3  }
0x96: {  	_ =	strace s2  }
0x97: {  	_ =	strace $0x8FFFFFFF  }
0x98: {  	s18 =	sld [smem:$0x3FDB];
	_ =	sdelay $0x1  }
0x99: {  	s19 =	simm.s32 $_scs_section_size  }
0x9a: {  	s4 =	simm.s32 $_size__tile_overlayer_lowered;
	s5 =	simm.s32 $_tile_overlayer_lowered  }
0x9b: {  	s22 =	simm.s32 $0x1BFF;
	s21 =	sshll.u32 s5, $0x1;
	s2 =	sadd.s32 s19, s18  }
0x9c: {  	s6 =	simm.s32 $0x0;
	s20 =	sshll.u32 s4, $0x1;
	s4 =	sadd.s32 s21, s2  }
0x9d: {  	[timem:s6], [sflag:s22] =	dma.local [hbm:s4], s20  }
0x9e: {  	_ =	swait.ge [sflag:s22], s20  }
0x9f: {  	s3 =	ssub.s32 $0x0, s20;
	[sflag:s22] =	ssyncset.done $0x0  }
0xa0: {  	[sflag:s22] =	ssyncadd.s32 s3;
	_ =	sdelay $0x1  }
0xa1: {  	s23 =	simm.s32 $0x1B8B  }
0xa2: {  	_ =	swait.ge [sflag:s23], $0x1  }
0xa3: {  	[sflag:s23] =	ssyncset.done $0x0  }
0xa4: {  	s25 =	simm.s32 $0x1B8E;
	s24 =	sld [smem:$0x3FFE];
	[sflag:s23] =	ssyncadd.s32 $0xFFFFFFFF  }
0xa5: {  	s26 =	simm.s32 $execute0_lowered;
	[smem:$0x3FD2] =	sst s25  }
0xa6: {  	s4 =	sshll.u32 s26, $0x1;
	_ =	strace $0x80000046;
	[dreg:$0x1] =	wrdreg $0xFFFFFFFF  }
0xa7: {  	s28 =	simm.s32 $_size_execute0_lowered;
	s2 =	sadd.s32 s2, s4;
	[dreg:$0x0] =	wrdreg $0x0  }
0xa8: {  	s4 =	sshll.u32 s28, $0x1;
	[dreg:$0x2] =	wrdreg s2  }
0xa9: {  	[dreg:$0x3] =	wrdreg s4  }
0xaa: {  	[dreg:$0x4] =	wrdreg $0xC0  }
0xab: {  	_ =	task [dreg:s6], $0x5FFFF  }
0xac: {  	[dreg:$0x1] =	wrdreg $0xFFFFFFFF  }
0xad: {  	[dreg:$0x0] =	wrdreg $0x60  }
0xae: {  	[dreg:$0x2] =	wrdreg s24  }
0xaf: {  	[dreg:$0x3] =	wrdreg $0x9  }
0xb0: {  	_ =	task.clear_ibuf [dreg:s6], $0x4FFFF;
	_ =	strace $0x90000046  }
0xb1: {  	s29 =	simm.s32 $0x9;
	_ =	strace $0x80000048  }
0xb2: {  	_ =	swait.ge [sflag:s29], $0x1  }
0xb3: {  	[sflag:s29] =	ssyncadd.s32 $0xFFFFFFFF  }
0xb4: {  	_ =	strace $0x90000048  }
0xb5: {  	_ =	sfence  }
0xb6: {  	s30 =	sld [smem:$0x0];
	_ =	sdelay $0x2  }
0xb7: {  	s31 =	sshll.u32 s1, $0xD;
	s1 =	sshrl.u32 s1, $0x2  }
0xb8: {  	s3 =	sand.u32 $0x4000, s31;
	s1 =	sadd.s32 s1, s30  }
0xb9: {  	s0 =	sor.u32 s3, s0;
	s1 =	sshll.u32 s1, $0x11  }
0xba: {  	s0 =	sor.u32 s1, s0  }
0xbb: {  	s0 =	sadd.s32 $0x8F2B, s0  }
0xbc: {  	[sflag:s0] =	ssyncadd.remote.s32 $0x1  }
0xbd: {  	_ =	sfence.sel $0xFFFF  }
0xbe: {  	[dreg:$0x0] =	wrdreg $0xFFFFFFFF;
	(pc) =	sbr.abs _section_cstart, $3  }
0xbf: {  	[dreg:$0x1] =	wrdreg $0xFFFFFFFF  }
0xc0: {  	_ =	task.clear_ibuf [dreg:s6], $0x2FFFF;
	_ =	strace $0x9FFFFFFF  }
0xc1: {  	(tm) =	ssettm $0x7FFFFFFF  }
tec
execute0_lowered:
.L_overlay_start_1:
0x0: {  	(tag) =	ssettag $0x1  }
0x1: {  	s1 =	srdreg.scid;
	s0 =	stileid.u32  }
0x2: {  	s3 =	rddreg [dreg:$0x0];
	s2 =	simm.s32 $0x0;
	s8 =	simm.s32 $0x0  }
0x3: {  	s4 =	sand.u32 $0x1, s1;
	s5 =	sshll.u32 s0, $0x1;
	s1 =	rddreg [dreg:$0x1]  }
0x4: {  	[smem:$0x7FF] =	sst s2;
	s5 =	sor.u32 s4, s5;
	s4 =	ssub.s32 $0x2, s4  }
0x5: {  	v0 =	vlaneseq.u32;
	s6 =	smul.u32 $0x980, s5;
	s5 =	sshll.u32 s5, $0xD;
	s7 =	sshrl.u32 s4, $0x1  }
0x6: {  	v1 =	vimm.f32 $0.0e+00;
	v2 =	vimm.f32 $1.000000000e+00;
	v3 =	vor.u32 $0x980, v0;
	_ =	strace $0x80000047;
	s5 =	sadd.s32 s5, s3;
	s7 =	ssub.s32 s4, s7  }
0x7: {  	v4 =	vor.u32 $0x1300, v0;
	v5 =	vor.u32 $0x1C80, v0;
	v6 =	vor.u32 $0x2600, v0;
	s6 =	sadd.s32 s6, s3;
	s3 =	sadd.s32 $0xC00, s5;
	s5 =	smax.u32 s7, $0x1  }
0x8: {  	v7 =	vor.u32 $0x2F80, v0;
	v8 =	vor.u32 $0x3900, v0;
	v9 =	vor.u32 $0x4280, v0;
	s7 =	simm.s32 $0x10000;
	s4 =	sadd.s32 $0x40C00, s6;
	s6 =	simm.s32 $0x1  }
.LBB2_1:
0x9: {  	[tilespmem:$0x10000] =	vst v1  }
0xa: {  	[tilespmem:$0x10080] =	vst v1  }
0xb: {  	[tilespmem:$0x10100] =	vst v1  }
0xc: {  	[tilespmem:$0x10180] =	vst v1  }
0xd: {  	[tilespmem:$0x10200] =	vst v1  }
0xe: {  	[tilespmem:$0x10280] =	vst v1  }
0xf: {  	[tilespmem:$0x10300] =	vst v1  }
0x10: {  	[tilespmem:$0x10380] =	vst v1  }
0x11: {  	[tilespmem:$0x10400] =	vst v1  }
0x12: {  	[tilespmem:$0x10480] =	vst v1  }
0x13: {  	[tilespmem:$0x10500] =	vst v1  }
0x14: {  	[tilespmem:$0x10580] =	vst v1  }
0x15: {  	[tilespmem:$0x10600] =	vst v1  }
0x16: {  	[tilespmem:$0x10680] =	vst v1  }
0x17: {  	[tilespmem:$0x10700] =	vst v1  }
0x18: {  	[tilespmem:$0x10780] =	vst v1  }
0x19: {  	[tilespmem:$0x10800] =	vst v1  }
0x1a: {  	[tilespmem:$0x10880] =	vst v1  }
0x1b: {  	[tilespmem:$0x10900] =	vst v1  }
0x1c: {  	[tilespmem:$0x10980] =	vst v1  }
0x1d: {  	[tilespmem:$0x10A00] =	vst v1  }
0x1e: {  	[tilespmem:$0x10A80] =	vst v1  }
0x1f: {  	[tilespmem:$0x10B00] =	vst v1  }
0x20: {  	[tilespmem:$0x10B80] =	vst v1  }
0x21: {  	[tilespmem:$0x10C00] =	vst v1  }
0x22: {  	[tilespmem:$0x10C80] =	vst v1  }
0x23: {  	[tilespmem:$0x10D00] =	vst v1  }
0x24: {  	[tilespmem:$0x10D80] =	vst v1  }
0x25: {  	[tilespmem:$0x10E00] =	vst v1  }
0x26: {  	[tilespmem:$0x10E80] =	vst v1  }
0x27: {  	[tilespmem:$0x10F00] =	vst v1  }
0x28: {  	[tilespmem:$0x10F80] =	vst v1  }
0x29: {  	[tilespmem:$0x11000] =	vst v1  }
0x2a: {  	[tilespmem:$0x11080] =	vst v1  }
0x2b: {  	[tilespmem:$0x11100] =	vst v1  }
0x2c: {  	[tilespmem:$0x11180] =	vst v1  }
0x2d: {  	[tilespmem:$0x11200] =	vst v1  }
0x2e: {  	[tilespmem:$0x11280] =	vst v1  }
0x2f: {  	[tilespmem:$0x11300] =	vst v1  }
0x30: {  	[tilespmem:$0x11380] =	vst v1  }
0x31: {  	[tilespmem:$0x11400] =	vst v1  }
0x32: {  	[tilespmem:$0x11480] =	vst v1  }
0x33: {  	[tilespmem:$0x11500] =	vst v1  }
0x34: {  	[tilespmem:$0x11580] =	vst v1  }
0x35: {  	[tilespmem:$0x11600] =	vst v1  }
0x36: {  	[tilespmem:$0x11680] =	vst v1  }
0x37: {  	[tilespmem:$0x11700] =	vst v1  }
0x38: {  	[tilespmem:$0x11780] =	vst v1  }
0x39: {  	[tilespmem:$0x11800] =	vst v1  }
0x3a: {  	[tilespmem:$0x11880] =	vst v1  }
0x3b: {  	[tilespmem:$0x11900] =	vst v1  }
0x3c: {  	[tilespmem:$0x11980] =	vst v1  }
0x3d: {  	[tilespmem:$0x11A00] =	vst v1  }
0x3e: {  	[tilespmem:$0x11A80] =	vst v1  }
0x3f: {  	[tilespmem:$0x11B00] =	vst v1  }
0x40: {  	[tilespmem:$0x11B80] =	vst v1  }
0x41: {  	[tilespmem:$0x11C00] =	vst v1  }
0x42: {  	[tilespmem:$0x11C80] =	vst v1  }
0x43: {  	[tilespmem:$0x11D00] =	vst v1  }
0x44: {  	[tilespmem:$0x11D80] =	vst v1  }
0x45: {  	[tilespmem:$0x11E00] =	vst v1  }
0x46: {  	[tilespmem:$0x11E80] =	vst v1  }
0x47: {  	[tilespmem:$0x11F00] =	vst v1  }
0x48: {  	[tilespmem:$0x11F80] =	vst v1  }
0x49: {  	[tilespmem:$0x12000] =	vst v1  }
0x4a: {  	[tilespmem:$0x12080] =	vst v1  }
0x4b: {  	[tilespmem:$0x12100] =	vst v1  }
0x4c: {  	[tilespmem:$0x12180] =	vst v1  }
0x4d: {  	[tilespmem:$0x12200] =	vst v1  }
0x4e: {  	[tilespmem:$0x12280] =	vst v1  }
0x4f: {  	[tilespmem:$0x12300] =	vst v1  }
0x50: {  	[tilespmem:$0x12380] =	vst v1  }
0x51: {  	[tilespmem:$0x12400] =	vst v1  }
0x52: {  	[tilespmem:$0x12480] =	vst v1  }
0x53: {  	[tilespmem:$0x12500] =	vst v1  }
0x54: {  	[tilespmem:$0x12580] =	vst v1  }
0x55: {  	[tilespmem:$0x12600] =	vst v1  }
0x56: {  	[tilespmem:$0x12680] =	vst v1  }
0x57: {  	[tilespmem:$0x12700] =	vst v1  }
0x58: {  	[tilespmem:$0x12780] =	vst v1  }
0x59: {  	[tilespmem:$0x12800] =	vst v1  }
0x5a: {  	[tilespmem:$0x12880] =	vst v1  }
0x5b: {  	[tilespmem:$0x12900] =	vst v1  }
0x5c: {  	[tilespmem:$0x12980] =	vst v1  }
0x5d: {  	[tilespmem:$0x12A00] =	vst v1  }
0x5e: {  	[tilespmem:$0x12A80] =	vst v1  }
0x5f: {  	[tilespmem:$0x12B00] =	vst v1  }
0x60: {  	[tilespmem:$0x12B80] =	vst v1  }
0x61: {  	[tilespmem:$0x12C00] =	vst v1  }
0x62: {  	[tilespmem:$0x12C80] =	vst v1  }
0x63: {  	[tilespmem:$0x12D00] =	vst v1  }
0x64: {  	[tilespmem:$0x12D80] =	vst v1  }
0x65: {  	[tilespmem:$0x12E00] =	vst v1  }
0x66: {  	[tilespmem:$0x12E80] =	vst v1  }
0x67: {  	[tilespmem:$0x12F00] =	vst v1  }
0x68: {  	[tilespmem:$0x12F80] =	vst v1  }
0x69: {  	[tilespmem:$0x13000] =	vst v1  }
0x6a: {  	[tilespmem:$0x13080] =	vst v1  }
0x6b: {  	[tilespmem:$0x13100] =	vst v1  }
0x6c: {  	[tilespmem:$0x13180] =	vst v1  }
0x6d: {  	[tilespmem:$0x13200] =	vst v1  }
0x6e: {  	[tilespmem:$0x13280] =	vst v1  }
0x6f: {  	[tilespmem:$0x13300] =	vst v1  }
0x70: {  	[tilespmem:$0x13380] =	vst v1  }
0x71: {  	[tilespmem:$0x13400] =	vst v1  }
0x72: {  	[tilespmem:$0x13480] =	vst v1  }
0x73: {  	[tilespmem:$0x13500] =	vst v1  }
0x74: {  	[tilespmem:$0x13580] =	vst v1  }
0x75: {  	[tilespmem:$0x13600] =	vst v1  }
0x76: {  	[tilespmem:$0x13680] =	vst v1  }
0x77: {  	[tilespmem:$0x13700] =	vst v1  }
0x78: {  	[tilespmem:$0x13780] =	vst v1  }
0x79: {  	[tilespmem:$0x13800] =	vst v1  }
0x7a: {  	[tilespmem:$0x13880] =	vst v1  }
0x7b: {  	[tilespmem:$0x13900] =	vst v1  }
0x7c: {  	[tilespmem:$0x13980] =	vst v1  }
0x7d: {  	[tilespmem:$0x13A00] =	vst v1  }
0x7e: {  	[tilespmem:$0x13A80] =	vst v1  }
0x7f: {  	[tilespmem:$0x13B00] =	vst v1  }
0x80: {  	[tilespmem:$0x13B80] =	vst v1  }
0x81: {  	[tilespmem:$0x13C00] =	vst v1  }
0x82: {  	[tilespmem:$0x13C80] =	vst v1  }
0x83: {  	[tilespmem:$0x13D00] =	vst v1  }
0x84: {  	[tilespmem:$0x13D80] =	vst v1  }
0x85: {  	[tilespmem:$0x13E00] =	vst v1  }
0x86: {  	[tilespmem:$0x13E80] =	vst v1  }
0x87: {  	[tilespmem:$0x13F00] =	vst v1  }
0x88: {  	[tilespmem:$0x13F80] =	vst v1  }
0x89: {  	[tilespmem:$0x14000] =	vst v1  }
0x8a: {  	[tilespmem:$0x14080] =	vst v1  }
0x8b: {  	[tilespmem:$0x14100] =	vst v1  }
0x8c: {  	[tilespmem:$0x14180] =	vst v1  }
0x8d: {  	[tilespmem:$0x14200] =	vst v1  }
0x8e: {  	[tilespmem:$0x14280] =	vst v1  }
0x8f: {  	[tilespmem:$0x14300] =	vst v1  }
0x90: {  	[tilespmem:$0x14380] =	vst v1  }
0x91: {  	[tilespmem:$0x14400] =	vst v1  }
0x92: {  	[tilespmem:$0x14480] =	vst v1  }
0x93: {  	[tilespmem:$0x14500] =	vst v1  }
0x94: {  	[tilespmem:$0x14580] =	vst v1  }
0x95: {  	[tilespmem:$0x14600] =	vst v1  }
0x96: {  	[tilespmem:$0x14680] =	vst v1  }
0x97: {  	[tilespmem:$0x14700] =	vst v1  }
0x98: {  	[tilespmem:$0x14780] =	vst v1  }
0x99: {  	[tilespmem:$0x14800] =	vst v1  }
0x9a: {  	[tilespmem:$0x14880] =	vst v1  }
0x9b: {  	[tilespmem:$0x14900] =	vst v1  }
0x9c: {  	[tilespmem:$0x14980] =	vst v1  }
0x9d: {  	[tilespmem:$0x14A00] =	vst v1  }
0x9e: {  	[tilespmem:$0x14A80] =	vst v1  }
0x9f: {  	[tilespmem:$0x14B00] =	vst v1  }
0xa0: {  	[tilespmem:$0x14B80] =	vst v1  }
0xa1: {  	[tilespmem:s2], [sflag:$0x1] =	stream.linear.gather [hbm4b:s3+s2], $0x10000, $0x38;
	[tilespmem:$0x14C00] =	vst v63  }
0xa2: {  	_ =	swait.ge [sflag:s6], $0x10000  }
0xa3: {  	[sflag:s6] =	ssyncset.done $0x0  }
0xa4: {  	s9 =	simm.s32 $0xE030;
	[sflag:s6] =	ssyncadd.s32 $0xFFFF0000  }
0xa5: {  	v10 =	vld [tilespmem:s9+$0xFFFF2000];
	_ =	sdelay $0x3  }
0xa6: {  	v12 =	vld [tilespmem:s9+$0xFFFF1FE0]  }
0xa7: {  	v10 =	vshll.u32 v10, $0x7  }
0xa8: {  	v11 =	vld [tilespmem:s9+$0xFFFF1FD0];
	v10 =	vor.u32 v0, v10;
	_ =	sdelay $0x1  }
0xa9: {  	v13 =	vld [tilespmem:s9+$0xFFFF1FF0]  }
0xaa: {  	v12 =	vshll.u32 v12, $0x7  }
0xab: {  	v12 =	vor.u32 v0, v12  }
0xac: {  	v11 =	vshll.u32 v11, $0x7;
	[tilespmem:v10+s7+$0x0] =	vst.idx.add.f32.msk $0xffff, v2  }
0xad: {  	v10 =	vor.u32 v0, v11;
	v11 =	vld [tilespmem:s9+$0xFFFF4000]  }
0xae: {  	v13 =	vshll.u32 v13, $0x7  }
0xaf: {  	v13 =	vor.u32 v0, v13  }
0xb0: {  	[tilespmem:v12+s7+$0x0] =	vst.idx.add.f32.msk $0xffff, v2  }
0xb1: {  	v12 =	vld [tilespmem:s9+$0xFFFF3FE0]  }
0xb2: {  	s10 =	sand.u32 $0x1FC0, s2;
	[tilespmem:v10+s7+$0x0] =	vst.idx.add.f32.msk $0xffff, v2;
	v10 =	vshll.u32 v11, $0x7  }
0xb3: {  	v11 =	vld [tilespmem:s10+$0x2000];
	v10 =	vadd.s32 v3, v10  }
0xb4: {  	[tilespmem:v13+s7+$0x0] =	vst.idx.add.f32.msk $0xffff, v2  }
0xb5: {  	v13 =	vld [tilespmem:s9+$0xFFFF3FF0];
	_ =	sdelay $0x1  }
0xb6: {  	v12 =	vshll.u32 v12, $0x7  }
0xb7: {  	v12 =	vadd.s32 v3, v12;
	v11 =	vshll.u32 v11, $0x7;
	[tilespmem:v10+s7+$0x0] =	vst.idx.add.f32.msk $0xffff, v2  }
0xb8: {  	v10 =	vadd.s32 v3, v11;
	v11 =	vld [tilespmem:s9+$0xFFFF6000]  }
0xb9: {  	v13 =	vshll.u32 v13, $0x7  }
0xba: {  	v13 =	vadd.s32 v3, v13;
	_ =	sdelay $0x1  }
0xbb: {  	[tilespmem:v12+s7+$0x0] =	vst.idx.add.f32.msk $0xffff, v2  }
0xbc: {  	[tilespmem:v10+s7+$0x0] =	vst.idx.add.f32.msk $0xffff, v2;
	v10 =	vshll.u32 v11, $0x7  }
0xbd: {  	v11 =	vld [tilespmem:s10+$0x4000];
	v10 =	vadd.s32 v4, v10  }
0xbe: {  	[tilespmem:v13+s7+$0x0] =	vst.idx.add.f32.msk $0xffff, v2  }
0xbf: {  	v12 =	vld [tilespmem:s9+$0xFFFF5FE0]  }
0xc0: {  	v13 =	vld [tilespmem:s9+$0xFFFF5FF0];
	_ =	sdelay $0x1  }
0xc1: {  	v11 =	vshll.u32 v11, $0x7;
	[tilespmem:v10+s7+$0x0] =	vst.idx.add.f32.msk $0xffff, v2  }
0xc2: {  	v10 =	vadd.s32 v4, v11;
	v11 =	vld [tilespmem:s9+$0xFFFF8000]  }
0xc3: {  	v12 =	vshll.u32 v12, $0x7  }
0xc4: {  	v13 =	vshll.u32 v13, $0x7;
	v12 =	vadd.s32 v4, v12  }
0xc5: {  	v13 =	vadd.s32 v4, v13;
	_ =	sdelay $0x1  }
0xc6: {  	[tilespmem:v10+s7+$0x0] =	vst.idx.add.f32.msk $0xffff, v2;
	v10 =	vshll.u32 v11, $0x7  }
0xc7: {  	v11 =	vld [tilespmem:s10+$0x6000];
	v10 =	vadd.s32 v5, v10  }
0xc8: {  	[tilespmem:v12+s7+$0x0] =	vst.idx.add.f32.msk $0xffff, v2  }
0xc9: {  	[tilespmem:v13+s7+$0x0] =	vst.idx.add.f32.msk $0xffff, v2  }
0xca: {  	v12 =	vld [tilespmem:s9+$0xFFFF7FE0]  }
0xcb: {  	v13 =	vld [tilespmem:s9+$0xFFFF7FF0]  }
0xcc: {  	v11 =	vshll.u32 v11, $0x7;
	[tilespmem:v10+s7+$0x0] =	vst.idx.add.f32.msk $0xffff, v2  }
0xcd: {  	v10 =	vadd.s32 v5, v11;
	v11 =	vld [tilespmem:s9+$0xFFFFA000];
	_ =	sdelay $0x1  }
0xce: {  	v12 =	vshll.u32 v12, $0x7  }
0xcf: {  	v13 =	vshll.u32 v13, $0x7;
	v12 =	vadd.s32 v5, v12  }
0xd0: {  	v13 =	vadd.s32 v5, v13  }
0xd1: {  	[tilespmem:v10+s7+$0x0] =	vst.idx.add.f32.msk $0xffff, v2;
	v10 =	vshll.u32 v11, $0x7  }
0xd2: {  	v10 =	vadd.s32 v6, v10  }
0xd3: {  	v11 =	vld [tilespmem:s10+$0x8000]  }
0xd4: {  	[tilespmem:v12+s7+$0x0] =	vst.idx.add.f32.msk $0xffff, v2  }
0xd5: {  	[tilespmem:v13+s7+$0x0] =	vst.idx.add.f32.msk $0xffff, v2  }
0xd6: {  	v14 =	vld [tilespmem:s9+$0xFFFF9FE0]  }
0xd7: {  	[tilespmem:v10+s7+$0x0] =	vst.idx.add.f32.msk $0xffff, v2  }
0xd8: {  	v10 =	vshll.u32 v11, $0x7;
	v11 =	vld [tilespmem:s9+$0xFFFFC000]  }
0xd9: {  	v12 =	vld [tilespmem:s9+$0xFFFF9FF0];
	_ =	sdelay $0x1  }
0xda: {  	s11 =	simm.s32 $0x0;
	s12 =	simm.s32 $0xE070;
	s13 =	simm.s32 $0x0;
	v13 =	vshll.u32 v14, $0x7;
	v10 =	vadd.s32 v6, v10  }
.LBB2_2:
0xdb: {  	v14 =	vld [tilespmem:s12+$0xFFFF2000];
	s11 =	sadd.s32 $0x4, s11;
	v13 =	vadd.s32 v6, v13  }
0xdc: {  	v15 =	vld [tilespmem:s12+$0xFFFF1FE0];
	p0 =	slt.u32 s11, $0x1FC;
	v11 =	vshll.u32 v11, $0x7  }
0xdd: {  	v16 =	vld [tilespmem:s12+$0xFFFF1FF0];
	v12 =	vshll.u32 v12, $0x7;
	v11 =	vadd.s32 v7, v11  }
0xde: {  	v17 =	vld [tilespmem:s12+$0xFFFF1FD0];
	v12 =	vadd.s32 v6, v12  }
0xdf: {  	[tilespmem:v10+s7+$0x0] =	vst.idx.add.f32.msk $0xffff, v2  }
0xe0: {  	v10 =	vshll.u32 v14, $0x7;
	[tilespmem:v13+s7+$0x0] =	vst.idx.add.f32.msk $0xffff, v2  }
0xe1: {  	v13 =	vshll.u32 v15, $0x7;
	v10 =	vor.u32 v0, v10;
	v14 =	vld [tilespmem:s10+$0xA000]  }
0xe2: {  	v13 =	vor.u32 v0, v13;
	v15 =	vshll.u32 v16, $0x7;
	[tilespmem:v11+s7+$0x0] =	vst.idx.add.f32.msk $0xffff, v2  }
0xe3: {  	v11 =	vshll.u32 v17, $0x7;
	v15 =	vor.u32 v0, v15;
	v16 =	vld [tilespmem:s9+$0xFFFFE000]  }
0xe4: {  	v11 =	vor.u32 v0, v11;
	[tilespmem:v12+s7+$0x0] =	vst.idx.add.f32.msk $0xffff, v2  }
0xe5: {  	v12 =	vld [tilespmem:s9+$0xFFFFBFE0]  }
0xe6: {  	[tilespmem:v10+s7+$0x0] =	vst.idx.add.f32.msk $0xffff, v2;
	v10 =	vshll.u32 v14, $0x7  }
0xe7: {  	v14 =	vld [tilespmem:s12+$0xFFFF4000];
	v10 =	vadd.s32 v7, v10  }
0xe8: {  	[tilespmem:v13+s7+$0x0] =	vst.idx.add.f32.msk $0xffff, v2;
	v13 =	vshll.u32 v16, $0x7  }
0xe9: {  	s13 =	sadd.s32 $0x40, s13;
	[tilespmem:v11+s7+$0x0] =	vst.idx.add.f32.msk $0xffff, v2;
	v11 =	vadd.s32 v8, v13  }
0xea: {  	s14 =	sand.u32 $0x1FC0, s13;
	[tilespmem:v15+s7+$0x0] =	vst.idx.add.f32.msk $0xffff, v2;
	v12 =	vshll.u32 v12, $0x7  }
0xeb: {  	v13 =	vld [tilespmem:s14+$0x2000];
	v12 =	vadd.s32 v7, v12  }
0xec: {  	v15 =	vld [tilespmem:s12+$0xFFFF3FE0];
	v14 =	vshll.u32 v14, $0x7  }
0xed: {  	v16 =	vld [tilespmem:s12+$0xFFFF3FF0];
	v14 =	vadd.s32 v3, v14  }
0xee: {  	[tilespmem:v11+s7+$0x0] =	vst.idx.add.f32.msk $0xffff, v2  }
0xef: {  	v11 =	vld [tilespmem:s9+$0x0]  }
0xf0: {  	v13 =	vshll.u32 v13, $0x7;
	v17 =	vld [tilespmem:s9+$0xFFFFBFF0]  }
0xf1: {  	v13 =	vadd.s32 v3, v13;
	v15 =	vshll.u32 v15, $0x7;
	[tilespmem:v10+s7+$0x0] =	vst.idx.add.f32.msk $0xffff, v2  }
0xf2: {  	v10 =	vadd.s32 v3, v15;
	v15 =	vshll.u32 v16, $0x7;
	[tilespmem:v14+s7+$0x0] =	vst.idx.add.f32.msk $0xffff, v2  }
0xf3: {  	v14 =	vadd.s32 v3, v15;
	v15 =	vld [tilespmem:s12+$0xFFFF6000]  }
0xf4: {  	[tilespmem:v12+s7+$0x0] =	vst.idx.add.f32.msk $0xffff, v2;
	v11 =	vshll.u32 v11, $0x7  }
0xf5: {  	v12 =	vld [tilespmem:s10+$0xC000];
	v16 =	vshll.u32 v17, $0x7;
	v11 =	vadd.s32 v9, v11  }
0xf6: {  	[tilespmem:v13+s7+$0x0] =	vst.idx.add.f32.msk $0xffff, v2;
	v13 =	vadd.s32 v7, v16  }
0xf7: {  	[tilespmem:v10+s7+$0x0] =	vst.idx.add.f32.msk $0xffff, v2  }
0xf8: {  	[tilespmem:v14+s7+$0x0] =	vst.idx.add.f32.msk $0xffff, v2;
	v10 =	vshll.u32 v15, $0x7  }
0xf9: {  	v14 =	vld [tilespmem:s14+$0x4000];
	v10 =	vadd.s32 v4, v10  }
0xfa: {  	v12 =	vshll.u32 v12, $0x7;
	[tilespmem:v11+s7+$0x0] =	vst.idx.add.f32.msk $0xffff, v2  }
0xfb: {  	v11 =	vld [tilespmem:s12+$0xFFFF5FE0];
	v12 =	vadd.s32 v8, v12  }
0xfc: {  	v15 =	vld [tilespmem:s12+$0xFFFF5FF0]  }
0xfd: {  	[tilespmem:v13+s7+$0x0] =	vst.idx.add.f32.msk $0xffff, v2  }
0xfe: {  	v13 =	vshll.u32 v14, $0x7;
	[tilespmem:v10+s7+$0x0] =	vst.idx.add.f32.msk $0xffff, v2  }
0xff: {  	v10 =	vadd.s32 v4, v13;
	v13 =	vld [tilespmem:s12+$0xFFFF8000]  }
0x100: {  	v11 =	vshll.u32 v11, $0x7;
	v14 =	vld [tilespmem:s9+$0xFFFFDFE0]  }
0x101: {  	v11 =	vadd.s32 v4, v11;
	v15 =	vshll.u32 v15, $0x7;
	v16 =	vld [tilespmem:s9+$0xFFFFDFF0]  }
0x102: {  	v15 =	vadd.s32 v4, v15;
	[tilespmem:v12+s7+$0x0] =	vst.idx.add.f32.msk $0xffff, v2  }
0x103: {  	v12 =	vld [tilespmem:s10+$0xE000];
	s10 =	smov.u32 s14  }
0x104: {  	[tilespmem:v10+s7+$0x0] =	vst.idx.add.f32.msk $0xffff, v2;
	v10 =	vshll.u32 v13, $0x7  }
0x105: {  	v13 =	vld [tilespmem:s10+$0x6000];
	v10 =	vadd.s32 v5, v10;
	v14 =	vshll.u32 v14, $0x7  }
0x106: {  	[tilespmem:v11+s7+$0x0] =	vst.idx.add.f32.msk $0xffff, v2;
	v11 =	vadd.s32 v8, v14;
	v14 =	vshll.u32 v16, $0x7  }
0x107: {  	[tilespmem:v15+s7+$0x0] =	vst.idx.add.f32.msk $0xffff, v2;
	v14 =	vadd.s32 v8, v14  }
0x108: {  	v15 =	vld [tilespmem:s12+$0xFFFF7FE0];
	v12 =	vshll.u32 v12, $0x7  }
0x109: {  	v16 =	vld [tilespmem:s12+$0xFFFF7FF0];
	v12 =	vadd.s32 v9, v12  }
0x10a: {  	v13 =	vshll.u32 v13, $0x7;
	[tilespmem:v10+s7+$0x0] =	vst.idx.add.f32.msk $0xffff, v2  }
0x10b: {  	v10 =	vadd.s32 v5, v13;
	v13 =	vld [tilespmem:s12+$0xFFFFA000]  }
0x10c: {  	[tilespmem:v11+s7+$0x0] =	vst.idx.add.f32.msk $0xffff, v2  }
0x10d: {  	v11 =	vshll.u32 v15, $0x7;
	[tilespmem:v14+s7+$0x0] =	vst.idx.add.f32.msk $0xffff, v2  }
0x10e: {  	v11 =	vadd.s32 v5, v11;
	v14 =	vshll.u32 v16, $0x7;
	v15 =	vld [tilespmem:s9+$0xFFFFFFE0]  }
0x10f: {  	v14 =	vadd.s32 v5, v14;
	v16 =	vld [tilespmem:s9+$0xFFFFFFF0];
	s9 =	smov.u32 s12  }
0x110: {  	[tilespmem:v10+s7+$0x0] =	vst.idx.add.f32.msk $0xffff, v2;
	v10 =	vshll.u32 v13, $0x7  }
0x111: {  	v13 =	vld [tilespmem:s10+$0x8000];
	v10 =	vadd.s32 v6, v10  }
0x112: {  	[tilespmem:v12+s7+$0x0] =	vst.idx.add.f32.msk $0xffff, v2  }
0x113: {  	[tilespmem:v11+s7+$0x0] =	vst.idx.add.f32.msk $0xffff, v2;
	v11 =	vshll.u32 v15, $0x7  }
0x114: {  	[tilespmem:v14+s7+$0x0] =	vst.idx.add.f32.msk $0xffff, v2;
	v14 =	vadd.s32 v9, v11;
	v11 =	vshll.u32 v16, $0x7  }
0x115: {  	v15 =	vld [tilespmem:s12+$0xFFFF9FE0];
	v16 =	vadd.s32 v9, v11  }
.Ltmp0:
0x116: {  	v11 =	vshll.u32 v13, $0x7;
	[tilespmem:v10+s7+$0x0] =	vst.idx.add.f32.msk $0xffff, v2;
	(pc) =	sbr.rel @p0 .LBB2_2-.Ltmp0, $4  }
0x117: {  	v10 =	vadd.s32 v6, v11;
	v11 =	vld [tilespmem:s12+$0xFFFFC000]  }
0x118: {  	v12 =	vld [tilespmem:s12+$0xFFFF9FF0]  }
0x119: {  	[tilespmem:v14+s7+$0x0] =	vst.idx.add.f32.msk $0xffff, v2  }
0x11a: {  	s12 =	sadd.s32 $0x40, s12;
	v13 =	vshll.u32 v15, $0x7;
	[tilespmem:v16+s7+$0x0] =	vst.idx.add.f32.msk $0xffff, v2  }
0x11b: {  	_ = 	snop  }
0x11c: {  	v13 =	vadd.s32 v6, v13  }
0x11d: {  	v12 =	vshll.u32 v12, $0x7  }
0x11e: {  	v12 =	vadd.s32 v6, v12  }
0x11f: {  	[tilespmem:v10+s7+$0x0] =	vst.idx.add.f32.msk $0xffff, v2  }
0x120: {  	v10 =	vld [tilespmem:s10+$0xA000]  }
0x121: {  	[tilespmem:v13+s7+$0x0] =	vst.idx.add.f32.msk $0xffff, v2  }
0x122: {  	v13 =	vld [tilespmem:s9+$0xFFFFBFE0]  }
0x123: {  	[tilespmem:v12+s7+$0x0] =	vst.idx.add.f32.msk $0xffff, v2  }
0x124: {  	v11 =	vshll.u32 v11, $0x7;
	v12 =	vld [tilespmem:s9+$0xFFFFBFF0]  }
0x125: {  	v11 =	vadd.s32 v7, v11  }
0x126: {  	v10 =	vshll.u32 v10, $0x7  }
0x127: {  	v10 =	vadd.s32 v7, v10  }
0x128: {  	v13 =	vshll.u32 v13, $0x7  }
0x129: {  	v13 =	vadd.s32 v7, v13;
	v12 =	vshll.u32 v12, $0x7  }
0x12a: {  	[tilespmem:v11+s7+$0x0] =	vst.idx.add.f32.msk $0xffff, v2;
	v11 =	vadd.s32 v7, v12  }
0x12b: {  	v60 =	vld [tilespmem:s9+$0xFFFFE000]  }
0x12c: {  	[tilespmem:v10+s7+$0x0] =	vst.idx.add.f32.msk $0xffff, v2  }
0x12d: {  	v10 =	vld [tilespmem:s10+$0xC000]  }
0x12e: {  	[tilespmem:v13+s7+$0x0] =	vst.idx.add.f32.msk $0xffff, v2  }
0x12f: {  	[tilespmem:v11+s7+$0x0] =	vst.idx.add.f32.msk $0xffff, v2  }
0x130: {  	v11 =	vld [tilespmem:s9+$0xFFFFDFE0]  }
0x131: {  	v12 =	vshll.u32 v60, $0x7;
	v61 =	vld [tilespmem:s9+$0xFFFFDFF0]  }
0x132: {  	v12 =	vadd.s32 v8, v12  }
0x133: {  	v10 =	vshll.u32 v10, $0x7  }
0x134: {  	v10 =	vadd.s32 v8, v10  }
0x135: {  	v11 =	vshll.u32 v11, $0x7  }
0x136: {  	v11 =	vadd.s32 v8, v11;
	v13 =	vshll.u32 v61, $0x7  }
0x137: {  	[tilespmem:v12+s7+$0x0] =	vst.idx.add.f32.msk $0xffff, v2;
	v62 =	vadd.s32 v8, v13  }
0x138: {  	v63 =	vld [tilespmem:s9+$0x0]  }
0x139: {  	[tilespmem:v10+s7+$0x0] =	vst.idx.add.f32.msk $0xffff, v2  }
0x13a: {  	v10 =	vld [tilespmem:s10+$0xE000]  }
0x13b: {  	[tilespmem:v11+s7+$0x0] =	vst.idx.add.f32.msk $0xffff, v2  }
0x13c: {  	[tilespmem:v62+s7+$0x0] =	vst.idx.add.f32.msk $0xffff, v2  }
0x13d: {  	v11 =	vld [tilespmem:s9+$0xFFFFFFE0]  }
0x13e: {  	v12 =	vld [tilespmem:s9+$0xFFFFFFF0];
	_ =	sdelay $0x1  }
0x13f: {  	v13 =	vshll.u32 v63, $0x7  }
0x140: {  	v13 =	vadd.s32 v9, v13;
	v10 =	vshll.u32 v10, $0x7  }
0x141: {  	v10 =	vadd.s32 v9, v10;
	v11 =	vshll.u32 v11, $0x7  }
0x142: {  	v11 =	vadd.s32 v9, v11;
	v12 =	vshll.u32 v12, $0x7  }
0x143: {  	v12 =	vadd.s32 v9, v12;
	_ =	sdelay $0x1  }
0x144: {  	[tilespmem:v13+s7+$0x0] =	vst.idx.add.f32.msk $0xffff, v2  }
0x145: {  	s8 =	sadd.s32 $0x1, s8;
	[tilespmem:v10+s7+$0x0] =	vst.idx.add.f32.msk $0xffff, v2  }
0x146: {  	p0 =	sne.s32 s8, s5;
	[tilespmem:v11+s7+$0x0] =	vst.idx.add.f32.msk $0xffff, v2  }
.Ltmp1:
0x147: {  	[tilespmem:v12+s7+$0x0] =	vst.idx.add.f32.msk $0xffff, v2;
	(pc) =	sbr.rel @p0 .LBB2_1-.Ltmp1, $4  }
0x148: {  	[hbm4b:s4+s2] =	stream.linear.scatter [tilespmem:s7], [sflag:$0x1], $0x4C00, $0x38;
	[tilespmem:$0x14C00] =	vst v63  }
0x149: {  	_ =	swait.ge [sflag:s6], $0x4C00  }
0x14a: {  	[sflag:s6] =	ssyncset.done $0x0  }
0x14b: {  	[sflag:s6] =	ssyncadd.s32 $0xFFFFB400  }
0x14c: {  	_ =	sfence.sel $0x180000  }
0x14d: {  	[bflag:$0x0] =	sbarrier.arrive $0xFFFF  }
0x14e: {  	p0 =	sne.s32 s0, $0x0;
	_ =	strace $0x90000047  }
0x14f: {  	s0 =	sadd.s32 @!p0 $0x100000, s1;
	[bflag:$0x2] =	sbarrier.arrive $0xFFFF  }
0x150: {  	[sflag:s0] =	ssyncadd.tile.s32 @!p0 $0x1;
	_ =	shalt  }
.Lfunc_end2:
_tile_overlayer_lowered:
.L_overlay_start_2:
0x151: {  	(tag) =	ssettag $0x2  }
0x152: {  	s0 =	rddreg [dreg:$0x0];
	s2 =	stileid.u32  }
0x153: {  	s1 =	rddreg [dreg:$0x1];
	p0 =	sne.s32 s2, $0x0  }
0x154: {  	s3 =	rddreg [dreg:$0x2];
	[bflag:$0x3] =	sbarrier.arrive $0xFFFF;
	s2 =	simm.s32 @!p0 $0x1C01  }
0x155: {  	[timem:s3], [sflag:s2] =	dma.local @!p0 [hbm:s0], s1  }
0x156: {  	s0 =	simm.s32 @!p0 $0x1  }
0x157: {  	_ =	swait.ge @!p0 [sflag:s0], s1  }
0x158: {  	s1 =	ssub.s32 @!p0 $0x0, s1;
	[sflag:s0] =	ssyncset.done @!p0 $0x0  }
0x159: {  	[sflag:s0] =	ssyncadd.s32 @!p0 s1  }
0x15a: {  	[bflag:$0x3] =	sbarrier.arrive $0xFFFF  }
0x15b: {  	_ =	shalt  }

</sc_bundles>
